<compile_context>
chip_gen: v7x
topology: tpu7x:2x2x1
jax: 0.10.2.dev20260603
libtpu: 0.0.44.dev20260713+nightly
codegen_flags: <defaults>
</compile_context>

<pallas_src>
import functools

import jax
import jax.numpy as jnp
import numpy as np
from jax import lax
from jax.experimental import pallas as pl
from jax.experimental.pallas import tpu as pltpu
from jax.experimental.pallas import tpu_sc as plsc

B, N, S, K = 16, 4096, 512, 32
RAD2 = np.float32(0.2 ** 2)
EPS = np.float32(1e-5)
M_ROWS = B * S * K
ROW_TILE = 2048
N_TILES = M_ROWS // ROW_TILE


def _fps_body(xyz_ref, far0_ref, xb_ref, yb_ref, zb_ref, dmin_ref):
    colio = lax.broadcasted_iota(jnp.int32, (B, N), 1)
    dmin_ref[...] = jnp.full((B, N), 1e10, dtype=jnp.float32)

    def body(i, far):
        xs = xyz_ref[0]
        ys = xyz_ref[1]
        zs = xyz_ref[2]
        onehot = colio == far
        cx = jnp.sum(jnp.where(onehot, xs, 0.0), axis=1, keepdims=True)
        cy = jnp.sum(jnp.where(onehot, ys, 0.0), axis=1, keepdims=True)
        cz = jnp.sum(jnp.where(onehot, zs, 0.0), axis=1, keepdims=True)
        xb_ref[pl.ds(i, 1), :] = jnp.transpose(cx)
        yb_ref[pl.ds(i, 1), :] = jnp.transpose(cy)
        zb_ref[pl.ds(i, 1), :] = jnp.transpose(cz)
        dx = xs - cx
        dy = ys - cy
        dz = zs - cz
        dist = dx * dx + dy * dy + dz * dz
        dmin = dmin_ref[...]
        dmin = jnp.where(dist < dmin, dist, dmin)
        dmin_ref[...] = dmin
        mx = jnp.max(dmin, axis=1, keepdims=True)
        far2 = jnp.min(jnp.where(dmin == mx, colio, N), axis=1,
                       keepdims=True).astype(jnp.int32)
        return far2

    lax.fori_loop(0, S, body, far0_ref[...])


def _fps(xyz_t, far0):
    return pl.pallas_call(
        _fps_body,
        out_shape=[jax.ShapeDtypeStruct((S, B), jnp.float32)] * 3,
        scratch_shapes=[pltpu.VMEM((B, N), jnp.float32)],
    )(xyz_t, far0)


def _mask_body(xyz_ref, cx_ref, cy_ref, cz_ref, mask_ref):
    x3 = xyz_ref[0]
    xs = x3[0:1, :]
    ys = x3[1:2, :]
    zs = x3[2:3, :]
    cx = cx_ref[0]
    cy = cy_ref[0]
    cz = cz_ref[0]
    c3 = jnp.concatenate([cx, cy, cz], axis=1)
    prod = lax.dot_general(c3, x3, (((1,), (0,)), ((), ())),
                           preferred_element_type=jnp.float32)
    d = -2.0 * prod
    d = d + (cx * cx + cy * cy + cz * cz)
    d = d + (xs * xs + ys * ys + zs * zs)
    cc = jnp.where(d <= RAD2, 1, 0).astype(jnp.int32)
    colio = lax.broadcasted_iota(jnp.int32, (128, N), 1)
    sh = 1
    while sh < N:
        cc = cc + jnp.where(colio >= sh, pltpu.roll(cc, sh, 1), 0)
        sh *= 2
    mask_ref[0] = cc


def _ball_mask(xyz_bt, cxb, cyb, czb):
    cspec = pl.BlockSpec((1, 128, 1), lambda b, j: (b, j, 0))
    return pl.pallas_call(
        _mask_body,
        grid=(B, S // 128),
        in_specs=[
            pl.BlockSpec((1, 3, N), lambda b, j: (b, 0, 0)),
            cspec, cspec, cspec,
        ],
        out_specs=pl.BlockSpec((1, 128, N), lambda b, j: (b, j, 0)),
        out_shape=jax.ShapeDtypeStruct((B, S, N), jnp.int32),
    )(xyz_bt, cxb, cyb, czb)


def _q_body(f_ref, xyz_ref, w0a_ref, w0b_ref, b0_ref, q_ref):
    fb = f_ref[0]
    xb = xyz_ref[0]
    q = lax.dot_general(fb, w0b_ref[...], (((0,), (0,)), ((), ())),
                        preferred_element_type=jnp.float32)
    q = q + lax.dot_general(xb, w0a_ref[...], (((1,), (0,)), ((), ())),
                            preferred_element_type=jnp.float32)
    q_ref[0] = q + b0_ref[...]


def _q_kernel(features, xyz, w0a, w0b, b0):
    return pl.pallas_call(
        _q_body,
        grid=(B, N // 512),
        in_specs=[
            pl.BlockSpec((1, 128, 512), lambda b, j: (b, 0, j)),
            pl.BlockSpec((1, 512, 3), lambda b, j: (b, j, 0)),
            pl.BlockSpec((3, 128), lambda b, j: (0, 0)),
            pl.BlockSpec((128, 128), lambda b, j: (0, 0)),
            pl.BlockSpec((1, 128), lambda b, j: (0, 0)),
        ],
        out_specs=pl.BlockSpec((1, 512, 128), lambda b, j: (b, j, 0)),
        out_shape=jax.ShapeDtypeStruct((B, N, 128), jnp.float32),
    )(features, xyz, w0a, w0b, b0)


def _c_body(nxyz_ref, w0a_ref, c_ref):
    xb = nxyz_ref[0]
    c_ref[0] = lax.dot_general(xb, w0a_ref[...], (((1,), (0,)), ((), ())),
                               preferred_element_type=jnp.float32)


def _c_kernel(new_xyz, w0a):
    return pl.pallas_call(
        _c_body,
        grid=(B,),
        in_specs=[
            pl.BlockSpec((1, S, 3), lambda b: (b, 0, 0)),
            pl.BlockSpec((3, 128), lambda b: (0, 0)),
        ],
        out_specs=pl.BlockSpec((1, S, 128), lambda b: (b, 0, 0)),
        out_shape=jax.ShapeDtypeStruct((B, S, 128), jnp.float32),
    )(new_xyz, w0a)


_ROWS_TOTAL = B * S
_NWORKERS = 32
_ROWS_PER_W = _ROWS_TOTAL // _NWORKERS


def _sc_body(cc_hbm, q_hbm, g_hbm, ccrow, idx32, rows, sem):
    wid = lax.axis_index("s") * 2 + lax.axis_index("c")
    zero16 = jnp.zeros((16,), jnp.int32)
    io16 = lax.iota(jnp.int32, 16)
    last = jnp.full((16,), N - 1, jnp.int32)

    def do_row(i, carry):
        r = wid * _ROWS_PER_W + i
        b = r // S
        base = b * N
        pltpu.sync_copy(cc_hbm.at[r], ccrow)
        tot = plsc.load_gather(ccrow, [last])

        for g in range(2):
            target = g * 16 + io16 + 1
            lo = zero16
            hi = jnp.full((16,), N, jnp.int32)
            for _ in range(13):
                mid = lax.shift_right_logical(lo + hi, 1)
                v = plsc.load_gather(ccrow, [jnp.minimum(mid, N - 1)])
                ge = v >= target
                hi = jnp.where(ge, mid, hi)
                lo = jnp.where(ge, lo, mid + 1)
            idx32[pl.ds(g * 16, 16)] = base + jnp.minimum(lo, N - 1)

        first = plsc.load_gather(idx32, [zero16])
        for g in range(2):
            kv = g * 16 + io16
            cur = idx32[pl.ds(g * 16, 16)]
            idx32[pl.ds(g * 16, 16)] = jnp.where(kv < tot, cur, first)

        pltpu.async_copy(q_hbm.at[idx32], rows, sem).wait()
        pltpu.sync_copy(rows, g_hbm.at[r])
        return carry

    lax.fori_loop(0, _ROWS_PER_W, do_row, jnp.int32(0))


def _sc_select_gather(cc2d, qflat):
    mesh = plsc.VectorSubcoreMesh(core_axis_name="c", subcore_axis_name="s")
    fn = functools.partial(
        pl.kernel,
        mesh=mesh,
        out_type=jax.ShapeDtypeStruct((_ROWS_TOTAL, K, 128), jnp.float32),
        scratch_types=[
            pltpu.VMEM((N,), jnp.int32),
            pltpu.VMEM((K,), jnp.int32),
            pltpu.VMEM((K, 128), jnp.float32),
            pltpu.SemaphoreType.DMA,
        ],
        compiler_params=pltpu.CompilerParams(needs_layout_passes=False),
    )(_sc_body)
    return fn(cc2d, qflat)


def _stats1_body(g_ref, c_ref, ssum_ref, ssq_ref):
    @pl.when(pl.program_id(0) == 0)
    def _():
        ssum_ref[...] = jnp.zeros_like(ssum_ref)
        ssq_ref[...] = jnp.zeros_like(ssq_ref)

    g = g_ref[...].reshape(ROW_TILE // K, K, 128)
    c = c_ref[...]
    pre = g - c[:, None, :]
    ssum_ref[0:1, :] += jnp.sum(pre, axis=(0, 1)).reshape(1, 128)
    ssq_ref[0:1, :] += jnp.sum(pre * pre, axis=(0, 1)).reshape(1, 128)


def _stats1(gflat, cflat):
    return pl.pallas_call(
        _stats1_body,
        grid=(N_TILES,),
        in_specs=[
            pl.BlockSpec((ROW_TILE, 128), lambda t: (t, 0)),
            pl.BlockSpec((ROW_TILE // K, 128), lambda t: (t, 0)),
        ],
        out_specs=[
            pl.BlockSpec((8, 128), lambda t: (0, 0)),
            pl.BlockSpec((8, 128), lambda t: (0, 0)),
        ],
        out_shape=[
            jax.ShapeDtypeStruct((8, 128), jnp.float32),
            jax.ShapeDtypeStruct((8, 128), jnp.float32),
        ],
    )(gflat, cflat)


def _layer_body(x_ref, c_ref, s_ref, t_ref, w_ref, b_ref, o_ref,
                ssum_ref, ssq_ref, *, cin, cout, has_c):
    @pl.when(pl.program_id(0) == 0)
    def _():
        ssum_ref[...] = jnp.zeros_like(ssum_ref)
        ssq_ref[...] = jnp.zeros_like(ssq_ref)

    x = x_ref[...]
    if has_c:
        g3 = x.reshape(ROW_TILE // K, K, cin)
        pre = (g3 - c_ref[...][:, None, :]).reshape(ROW_TILE, cin)
    else:
        pre = x
    h = jnp.maximum(pre * s_ref[...] + t_ref[...], 0.0)
    out = lax.dot_general(h, w_ref[...], (((1,), (0,)), ((), ())),
                          preferred_element_type=jnp.float32)
    out = out + b_ref[...]
    o_ref[...] = out
    ssum_ref[0:1, :] += jnp.sum(out, axis=0).reshape(1, cout)
    ssq_ref[0:1, :] += jnp.sum(out * out, axis=0).reshape(1, cout)


def _layer(x, c, s, t, w, b, cin, cout, has_c):
    body = functools.partial(_layer_body, cin=cin, cout=cout, has_c=has_c)
    in_specs = [
        pl.BlockSpec((ROW_TILE, cin), lambda t_: (t_, 0)),
        pl.BlockSpec((ROW_TILE // K, cin), lambda t_: (t_, 0)),
        pl.BlockSpec((1, cin), lambda t_: (0, 0)),
        pl.BlockSpec((1, cin), lambda t_: (0, 0)),
        pl.BlockSpec((cin, cout), lambda t_: (0, 0)),
        pl.BlockSpec((1, cout), lambda t_: (0, 0)),
    ]
    return pl.pallas_call(
        body,
        grid=(N_TILES,),
        in_specs=in_specs,
        out_specs=[
            pl.BlockSpec((ROW_TILE, cout), lambda t_: (t_, 0)),
            pl.BlockSpec((8, cout), lambda t_: (0, 0)),
            pl.BlockSpec((8, cout), lambda t_: (0, 0)),
        ],
        out_shape=[
            jax.ShapeDtypeStruct((M_ROWS, cout), jnp.float32),
            jax.ShapeDtypeStruct((8, cout), jnp.float32),
            jax.ShapeDtypeStruct((8, cout), jnp.float32),
        ],
    )(x, c, s, t, w, b)


def _pool_body(x_ref, s_ref, t_ref, o_ref):
    h = jnp.maximum(x_ref[...] * s_ref[...] + t_ref[...], 0.0)
    h3 = h.reshape(ROW_TILE // K, K, 512)
    o_ref[...] = jnp.max(h3, axis=1)


def _pool(x, s, t):
    return pl.pallas_call(
        _pool_body,
        grid=(N_TILES,),
        in_specs=[
            pl.BlockSpec((ROW_TILE, 512), lambda t_: (t_, 0)),
            pl.BlockSpec((1, 512), lambda t_: (0, 0)),
            pl.BlockSpec((1, 512), lambda t_: (0, 0)),
        ],
        out_specs=pl.BlockSpec((ROW_TILE // K, 512), lambda t_: (t_, 0)),
        out_shape=jax.ShapeDtypeStruct((B * S, 512), jnp.float32),
    )(x, s, t)


def _bn_fold(ssum, ssq, g, bt):
    mean = ssum[0] / M_ROWS
    var = ssq[0] / M_ROWS - mean * mean
    scale = g / jnp.sqrt(var + EPS)
    shift = bt - mean * scale
    return scale.reshape(1, -1), shift.reshape(1, -1)


def kernel(xyz, features, w0, b0, g0, bt0, w1, b1, g1, bt1,
           w2, b2, g2, bt2):
    xyz_t = jnp.transpose(xyz, (2, 0, 1))
    xyz_bt = jnp.transpose(xyz, (0, 2, 1))
    far0 = jax.random.randint(jax.random.key(42), (B,), 0, N,
                              dtype=jnp.int32).reshape(B, 1)
    xb, yb, zb = _fps(xyz_t, far0)
    xbt, ybt, zbt = xb.T, yb.T, zb.T
    new_xyz = jnp.stack([xbt, ybt, zbt], axis=2)

    mask = _ball_mask(xyz_bt, xbt[:, :, None], ybt[:, :, None],
                      zbt[:, :, None])
    q = _q_kernel(features, xyz, w0[:3], w0[3:], b0.reshape(1, 128))
    cmat = _c_kernel(new_xyz, w0[:3])

    g = _sc_select_gather(mask.reshape(B * S, N), q.reshape(B * N, 128))
    gflat = g.reshape(M_ROWS, 128)
    cflat = cmat.reshape(B * S, 128)

    ssum1, ssq1 = _stats1(gflat, cflat)
    s1, t1 = _bn_fold(ssum1, ssq1, g0, bt0)

    pre2, ssum2, ssq2 = _layer(gflat, cflat, s1, t1, w1,
                               b1.reshape(1, 256), 128, 256, True)
    s2, t2 = _bn_fold(ssum2, ssq2, g1, bt1)

    dummy_c = jnp.zeros((B * S, 256), jnp.float32)
    pre3, ssum3, ssq3 = _layer(pre2, dummy_c, s2, t2, w2,
                               b2.reshape(1, 512), 256, 512, False)
    s3, t3 = _bn_fold(ssum3, ssq3, g2, bt2)

    pooled = _pool(pre3, s3, t3)
    new_features = jnp.transpose(pooled.reshape(B, S, 512), (0, 2, 1))
    return new_xyz, new_features

# --- scband reference (transcript-rebuilt; emitter-appended) ---
"""Pipeline reference for scband-pointnet-samodule-73065983639955 (READ-ONLY COPY).

The authoritative reference and input builder live on the scoring server;
editing this copy changes nothing except your own understanding.
"""

import jax, jax.numpy as jnp
import numpy as np

B, N, NPOINT, NSAMPLE = 16, 4096, 512, 32
RADIUS = 0.2
EPS = 1e-5
MLP = [131, 128, 256, 512]


def square_distance(src, dst):
    d = -2.0 * jnp.einsum('bsc,bnc->bsn', src, dst)
    d = d + jnp.sum(src ** 2, -1)[:, :, None]
    d = d + jnp.sum(dst ** 2, -1)[:, None, :]
    return d


def fps_subsample(xyz, npoint, key):
    Bb, Nn, _ = xyz.shape
    farthest = jax.random.randint(key, (Bb,), 0, Nn, dtype=jnp.int32)
    distance = jnp.full((Bb, Nn), 1e10, dtype=xyz.dtype)
    centroids = jnp.zeros((Bb, npoint), dtype=jnp.int32)

    def body(i, carry):
        centroids, distance, farthest = carry
        centroids = centroids.at[:, i].set(farthest)
        centroid = jnp.take_along_axis(xyz, farthest[:, None, None], axis=1)
        dist = jnp.sum((xyz - centroid) ** 2, -1)
        distance = jnp.where(dist < distance, dist, distance)
        farthest = jnp.argmax(distance, -1).astype(jnp.int32)
        return centroids, distance, farthest

    centroids, _, _ = jax.lax.fori_loop(0, npoint, body, (centroids, distance, farthest))
    return centroids


def ball_query(radius, nsample, xyz, new_xyz):
    Bb, Nn, _ = xyz.shape
    S = new_xyz.shape[1]
    group_idx = jnp.broadcast_to(jnp.arange(Nn, dtype=jnp.int32), (Bb, S, Nn))
    sqrdists = square_distance(new_xyz, xyz)
    group_idx = jnp.where(sqrdists > radius ** 2, Nn, group_idx)
    group_idx = jnp.sort(group_idx, axis=-1)[:, :, :nsample]
    group_first = group_idx[:, :, :1]
    group_idx = jnp.where(group_idx == Nn, group_first, group_idx)
    return group_idx


def index_points(points, idx):
    if idx.ndim == 2:
        return jnp.take_along_axis(points, idx[:, :, None], axis=1)
    Bb, S, K = idx.shape
    flat = idx.reshape(Bb, S * K)
    out = jnp.take_along_axis(points, flat[:, :, None], axis=1)
    return out.reshape(Bb, S, K, points.shape[-1])


def setup_inputs(seed: int = 0):
    key = jax.random.key(seed)
    ks = jax.random.split(key, 16)
    xyz = jax.random.uniform(ks[0], (B, N, 3), dtype=jnp.float32)
    features = jax.random.normal(ks[1], (B, 128, N), dtype=jnp.float32)
    inp = {'xyz': xyz, 'features': features}
    for i in range(3):
        cin, cout = MLP[i], MLP[i + 1]
        inp['w%d' % i] = jax.random.normal(ks[2 + 4 * i], (cin, cout), dtype=jnp.float32) / np.sqrt(cin)
        inp['b%d' % i] = jnp.zeros((cout,), dtype=jnp.float32)
        inp['g%d' % i] = jnp.ones((cout,), dtype=jnp.float32)
        inp['bt%d' % i] = jnp.zeros((cout,), dtype=jnp.float32)
    return inp


def reference(xyz, features, w0, b0, g0, bt0, w1, b1, g1, bt1, w2, b2, g2, bt2):
    fps_idx = fps_subsample(xyz, NPOINT, jax.random.key(42))
    new_xyz = index_points(xyz, fps_idx)
    idx = ball_query(RADIUS, NSAMPLE, xyz, new_xyz)
    grouped_xyz = index_points(xyz, idx)
    grouped_xyz_norm = grouped_xyz - new_xyz[:, :, None, :]
    grouped_features = index_points(jnp.transpose(features, (0, 2, 1)), idx)
    x = jnp.concatenate([grouped_xyz_norm, grouped_features], axis=-1)
    for w, b, g, bt in ((w0, b0, g0, bt0), (w1, b1, g1, bt1), (w2, b2, g2, bt2)):
        x = jnp.einsum('bskc,cd->bskd', x, w) + b
        mean = jnp.mean(x, axis=(0, 1, 2))
        var = jnp.var(x, axis=(0, 1, 2))
        x = (x - mean) / jnp.sqrt(var + EPS) * g + bt
        x = jax.nn.relu(x)
    new_features = jnp.transpose(jnp.max(x, axis=2), (0, 2, 1))
    return new_xyz, new_features

if __name__ == "__main__":
    import jax
    _d = setup_inputs()
    print(jax.jit(kernel)(*tuple(_d.values())))

</pallas_src>

<mosaic_0001>
#map = affine_map<(d0, d1) -> (0, 0)>
#map1 = affine_map<(d0, d1) -> (0, 0, 0)>
module attributes {stable_mosaic.version = 14 : i64} {
  func.func @_sc_body(%arg0: i32, %arg1: i32, %arg2: memref<8192x4096xi32, #tpu.memory_space<hbm>>, %arg3: memref<65536x128xf32, #tpu.memory_space<hbm>>, %arg4: memref<8192x32x128xf32, #tpu.memory_space<hbm>>, %arg5: memref<4096xi32, #tpu.memory_space<vmem>>, %arg6: memref<32xi32, #tpu.memory_space<vmem>>, %arg7: memref<32x128xf32, #tpu.memory_space<vmem>>, %arg8: memref<!tpu.dma_semaphore, #tpu.memory_space<semaphore_mem>>) attributes {dimension_semantics = [#tpu.dimension_semantics<core_parallel>, #tpu.dimension_semantics<subcore_parallel>], iteration_bounds = array<i64: 2, 16>, scalar_prefetch = 0 : i64, scratch_operands = 4 : i64, tpu.core_type = #tpu.core_type<sc_vector_subcore>, window_params = [{transform_indices = #map}, {transform_indices = #map}, {transform_indices = #map1}]} {
    %mul3A = arith.constant 2 : i32
    %mul3A_0 = arith.muli %arg1, %mul3A : i32
    %add3A = arith.addi %mul3A_0, %arg0 : i32
    %broadcast_in_dim3A = arith.constant 0 : i32
    %broadcast_in_dim3A_1 = vector.broadcast %broadcast_in_dim3A : i32 to vector<16xi32>
    %iota3A = tpu.iota {dimensions = array<i32: 0>} : vector<16xi32>
    %broadcast_in_dim3A_2 = arith.constant 4095 : i32
    %broadcast_in_dim3A_3 = vector.broadcast %broadcast_in_dim3A_2 : i32 to vector<16xi32>
    %scan3A = arith.constant 0 : i32
    %scan3A_4 = arith.constant 0 : i32
    %scan3A_5 = arith.constant 256 : i32
    %scan3A_6 = arith.addi %scan3A_4, %scan3A_5 : i32
    %scan3A_7 = arith.constant 1 : i32
    scf.for %scan3A_9 = %scan3A_4 to %scan3A_6 step %scan3A_7  : i32 {
      %mul3A_10 = arith.constant 256 : i32
      %mul3A_11 = arith.muli %add3A, %mul3A_10 : i32
      %add3A_12 = arith.addi %mul3A_11, %scan3A_9 : i32
      %jit3A = arith.constant 512 : i32
      %div3A = arith.divsi %add3A_12, %jit3A : i32
      %sign3A = arith.constant 0 : i32
      %sign3A_13 = arith.cmpi sgt, %add3A_12, %sign3A : i32
      %sign3A_14 = arith.extui %sign3A_13 : i1 to i32
      %sign3A_15 = arith.constant 0 : i32
      %sign3A_16 = arith.cmpi slt, %add3A_12, %sign3A_15 : i32
      %sign3A_17 = arith.extui %sign3A_16 : i1 to i32
      %sign3A_18 = arith.subi %sign3A_14, %sign3A_17 : i32
      %sign3A_19 = arith.constant 0 : i32
      %sign3A_20 = arith.cmpi sgt, %jit3A, %sign3A_19 : i32
      %sign3A_21 = arith.extui %sign3A_20 : i1 to i32
      %sign3A_22 = arith.constant 0 : i32
      %sign3A_23 = arith.cmpi slt, %jit3A, %sign3A_22 : i32
      %sign3A_24 = arith.extui %sign3A_23 : i1 to i32
      %sign3A_25 = arith.subi %sign3A_21, %sign3A_24 : i32
      %ne3A = arith.cmpi ne, %sign3A_18, %sign3A_25 : i32
      %rem3A = arith.remsi %add3A_12, %jit3A : i32
      %ne3A_26 = arith.constant 0 : i32
      %ne3A_27 = arith.cmpi ne, %rem3A, %ne3A_26 : i32
      %and3A = arith.andi %ne3A, %ne3A_27 : i1
      %sub3A = arith.constant 1 : i32
      %sub3A_28 = arith.subi %div3A, %sub3A : i32
      %select_n3A = arith.select %and3A, %sub3A_28, %div3A : i32
      %mul3A_29 = arith.constant 4096 : i32
      %mul3A_30 = arith.muli %select_n3A, %mul3A_29 : i32
      "tpu.region"() ({
        %run_scoped3A = tpu.sem_alloc : memref<!tpu.dma_semaphore, #tpu.memory_space<semaphore_mem>>
        %dma_start3A_442 = arith.constant 0 : i32
        %dma_start3A_443 = tpu.memref_slice %arg2[%add3A_12, %dma_start3A_442] : memref<8192x4096xi32, #tpu.memory_space<hbm>> -> memref<1x4096xi32, #tpu.memory_space<hbm>>
        %dma_start3A_444 = tpu.memref_squeeze %dma_start3A_443 : memref<1x4096xi32, #tpu.memory_space<hbm>> -> memref<4096xi32, #tpu.memory_space<hbm>>
        %dma_start3A_445 = arith.constant 0 : i32
        %dma_start3A_446 = tpu.memref_slice %arg2[%add3A_12, %dma_start3A_445] : memref<8192x4096xi32, #tpu.memory_space<hbm>> -> memref<1x4096xi32, #tpu.memory_space<hbm>>
        %dma_start3A_447 = tpu.memref_squeeze %dma_start3A_446 : memref<1x4096xi32, #tpu.memory_space<hbm>> -> memref<4096xi32, #tpu.memory_space<hbm>>
        tpu.enqueue_dma source(%dma_start3A_447 : memref<4096xi32, #tpu.memory_space<hbm>>) target(%arg5 : memref<4096xi32, #tpu.memory_space<vmem>>) target_semaphore(%run_scoped3A : memref<!tpu.dma_semaphore, #tpu.memory_space<semaphore_mem>>)
        %dma_wait3A_448 = arith.constant 0 : i32
        %dma_wait3A_449 = tpu.memref_slice %arg2[%add3A_12, %dma_wait3A_448] : memref<8192x4096xi32, #tpu.memory_space<hbm>> -> memref<1x4096xi32, #tpu.memory_space<hbm>>
        %dma_wait3A_450 = tpu.memref_squeeze %dma_wait3A_449 : memref<1x4096xi32, #tpu.memory_space<hbm>> -> memref<4096xi32, #tpu.memory_space<hbm>>
        %dma_wait3A_451 = arith.constant 0 : i32
        %dma_wait3A_452 = tpu.memref_slice %arg2[%add3A_12, %dma_wait3A_451] : memref<8192x4096xi32, #tpu.memory_space<hbm>> -> memref<1x4096xi32, #tpu.memory_space<hbm>>
        %dma_wait3A_453 = tpu.memref_squeeze %dma_wait3A_452 : memref<1x4096xi32, #tpu.memory_space<hbm>> -> memref<4096xi32, #tpu.memory_space<hbm>>
        tpu.wait_dma2 semaphore(%run_scoped3A : memref<!tpu.dma_semaphore, #tpu.memory_space<semaphore_mem>>) src(%dma_wait3A_453 : memref<4096xi32, #tpu.memory_space<hbm>>) dst(%arg5 : memref<4096xi32, #tpu.memory_space<vmem>>)
        tpu.yield
      }) : () -> ()
      %gather3A = tpu.vector_load_idx %arg5[%broadcast_in_dim3A_3] : memref<4096xi32, #tpu.memory_space<vmem>>[vector<16xi32>], vector<16xi32>,
      %add3A_31 = arith.constant 0 : i32
      %add3A_32 = vector.broadcast %add3A_31 : i32 to vector<16xi32>
      %add3A_33 = arith.addi %add3A_32, %iota3A : vector<16xi32>
      %add3A_34 = arith.constant 1 : i32
      %add3A_35 = vector.broadcast %add3A_34 : i32 to vector<16xi32>
      %add3A_36 = arith.addi %add3A_33, %add3A_35 : vector<16xi32>
      %broadcast_in_dim3A_37 = arith.constant 4096 : i32
      %broadcast_in_dim3A_38 = vector.broadcast %broadcast_in_dim3A_37 : i32 to vector<16xi32>
      %add3A_39 = arith.addi %broadcast_in_dim3A_1, %broadcast_in_dim3A_38 : vector<16xi32>
      %shift_right_logical3A = arith.constant 1 : i32
      %shift_right_logical3A_40 = vector.broadcast %shift_right_logical3A : i32 to vector<16xi32>
      %shift_right_logical3A_41 = arith.shrui %add3A_39, %shift_right_logical3A_40 : vector<16xi32>
      %min3A = arith.constant 4095 : i32
      %min3A_42 = vector.broadcast %min3A : i32 to vector<16xi32>
      %min3A_43 = arith.minsi %shift_right_logical3A_41, %min3A_42 : vector<16xi32>
      %gather3A_44 = tpu.vector_load_idx %arg5[%min3A_43] : memref<4096xi32, #tpu.memory_space<vmem>>[vector<16xi32>], vector<16xi32>,
      %ge3A = arith.cmpi sge, %gather3A_44, %add3A_36 : vector<16xi32>
      %select_n3A_45 = arith.select %ge3A, %shift_right_logical3A_41, %broadcast_in_dim3A_38 : vector<16xi1>, vector<16xi32>
      %add3A_46 = arith.constant 1 : i32
      %add3A_47 = vector.broadcast %add3A_46 : i32 to vector<16xi32>
      %add3A_48 = arith.addi %shift_right_logical3A_41, %add3A_47 : vector<16xi32>
      %select_n3A_49 = arith.select %ge3A, %broadcast_in_dim3A_1, %add3A_48 : vector<16xi1>, vector<16xi32>
      %add3A_50 = arith.addi %select_n3A_49, %select_n3A_45 : vector<16xi32>
      %shift_right_logical3A_51 = arith.constant 1 : i32
      %shift_right_logical3A_52 = vector.broadcast %shift_right_logical3A_51 : i32 to vector<16xi32>
      %shift_right_logical3A_53 = arith.shrui %add3A_50, %shift_right_logical3A_52 : vector<16xi32>
      %min3A_54 = arith.constant 4095 : i32
      %min3A_55 = vector.broadcast %min3A_54 : i32 to vector<16xi32>
      %min3A_56 = arith.minsi %shift_right_logical3A_53, %min3A_55 : vector<16xi32>
      %gather3A_57 = tpu.vector_load_idx %arg5[%min3A_56] : memref<4096xi32, #tpu.memory_space<vmem>>[vector<16xi32>], vector<16xi32>,
      %ge3A_58 = arith.cmpi sge, %gather3A_57, %add3A_36 : vector<16xi32>
      %select_n3A_59 = arith.select %ge3A_58, %shift_right_logical3A_53, %select_n3A_45 : vector<16xi1>, vector<16xi32>
      %add3A_60 = arith.constant 1 : i32
      %add3A_61 = vector.broadcast %add3A_60 : i32 to vector<16xi32>
      %add3A_62 = arith.addi %shift_right_logical3A_53, %add3A_61 : vector<16xi32>
      %select_n3A_63 = arith.select %ge3A_58, %select_n3A_49, %add3A_62 : vector<16xi1>, vector<16xi32>
      %add3A_64 = arith.addi %select_n3A_63, %select_n3A_59 : vector<16xi32>
      %shift_right_logical3A_65 = arith.constant 1 : i32
      %shift_right_logical3A_66 = vector.broadcast %shift_right_logical3A_65 : i32 to vector<16xi32>
      %shift_right_logical3A_67 = arith.shrui %add3A_64, %shift_right_logical3A_66 : vector<16xi32>
      %min3A_68 = arith.constant 4095 : i32
      %min3A_69 = vector.broadcast %min3A_68 : i32 to vector<16xi32>
      %min3A_70 = arith.minsi %shift_right_logical3A_67, %min3A_69 : vector<16xi32>
      %gather3A_71 = tpu.vector_load_idx %arg5[%min3A_70] : memref<4096xi32, #tpu.memory_space<vmem>>[vector<16xi32>], vector<16xi32>,
      %ge3A_72 = arith.cmpi sge, %gather3A_71, %add3A_36 : vector<16xi32>
      %select_n3A_73 = arith.select %ge3A_72, %shift_right_logical3A_67, %select_n3A_59 : vector<16xi1>, vector<16xi32>
      %add3A_74 = arith.constant 1 : i32
      %add3A_75 = vector.broadcast %add3A_74 : i32 to vector<16xi32>
      %add3A_76 = arith.addi %shift_right_logical3A_67, %add3A_75 : vector<16xi32>
      %select_n3A_77 = arith.select %ge3A_72, %select_n3A_63, %add3A_76 : vector<16xi1>, vector<16xi32>
      %add3A_78 = arith.addi %select_n3A_77, %select_n3A_73 : vector<16xi32>
      %shift_right_logical3A_79 = arith.constant 1 : i32
      %shift_right_logical3A_80 = vector.broadcast %shift_right_logical3A_79 : i32 to vector<16xi32>
      %shift_right_logical3A_81 = arith.shrui %add3A_78, %shift_right_logical3A_80 : vector<16xi32>
      %min3A_82 = arith.constant 4095 : i32
      %min3A_83 = vector.broadcast %min3A_82 : i32 to vector<16xi32>
      %min3A_84 = arith.minsi %shift_right_logical3A_81, %min3A_83 : vector<16xi32>
      %gather3A_85 = tpu.vector_load_idx %arg5[%min3A_84] : memref<4096xi32, #tpu.memory_space<vmem>>[vector<16xi32>], vector<16xi32>,
      %ge3A_86 = arith.cmpi sge, %gather3A_85, %add3A_36 : vector<16xi32>
      %select_n3A_87 = arith.select %ge3A_86, %shift_right_logical3A_81, %select_n3A_73 : vector<16xi1>, vector<16xi32>
      %add3A_88 = arith.constant 1 : i32
      %add3A_89 = vector.broadcast %add3A_88 : i32 to vector<16xi32>
      %add3A_90 = arith.addi %shift_right_logical3A_81, %add3A_89 : vector<16xi32>
      %select_n3A_91 = arith.select %ge3A_86, %select_n3A_77, %add3A_90 : vector<16xi1>, vector<16xi32>
      %add3A_92 = arith.addi %select_n3A_91, %select_n3A_87 : vector<16xi32>
      %shift_right_logical3A_93 = arith.constant 1 : i32
      %shift_right_logical3A_94 = vector.broadcast %shift_right_logical3A_93 : i32 to vector<16xi32>
      %shift_right_logical3A_95 = arith.shrui %add3A_92, %shift_right_logical3A_94 : vector<16xi32>
      %min3A_96 = arith.constant 4095 : i32
      %min3A_97 = vector.broadcast %min3A_96 : i32 to vector<16xi32>
      %min3A_98 = arith.minsi %shift_right_logical3A_95, %min3A_97 : vector<16xi32>
      %gather3A_99 = tpu.vector_load_idx %arg5[%min3A_98] : memref<4096xi32, #tpu.memory_space<vmem>>[vector<16xi32>], vector<16xi32>,
      %ge3A_100 = arith.cmpi sge, %gather3A_99, %add3A_36 : vector<16xi32>
      %select_n3A_101 = arith.select %ge3A_100, %shift_right_logical3A_95, %select_n3A_87 : vector<16xi1>, vector<16xi32>
      %add3A_102 = arith.constant 1 : i32
      %add3A_103 = vector.broadcast %add3A_102 : i32 to vector<16xi32>
      %add3A_104 = arith.addi %shift_right_logical3A_95, %add3A_103 : vector<16xi32>
      %select_n3A_105 = arith.select %ge3A_100, %select_n3A_91, %add3A_104 : vector<16xi1>, vector<16xi32>
      %add3A_106 = arith.addi %select_n3A_105, %select_n3A_101 : vector<16xi32>
      %shift_right_logical3A_107 = arith.constant 1 : i32
      %shift_right_logical3A_108 = vector.broadcast %shift_right_logical3A_107 : i32 to vector<16xi32>
      %shift_right_logical3A_109 = arith.shrui %add3A_106, %shift_right_logical3A_108 : vector<16xi32>
      %min3A_110 = arith.constant 4095 : i32
      %min3A_111 = vector.broadcast %min3A_110 : i32 to vector<16xi32>
      %min3A_112 = arith.minsi %shift_right_logical3A_109, %min3A_111 : vector<16xi32>
      %gather3A_113 = tpu.vector_load_idx %arg5[%min3A_112] : memref<4096xi32, #tpu.memory_space<vmem>>[vector<16xi32>], vector<16xi32>,
      %ge3A_114 = arith.cmpi sge, %gather3A_113, %add3A_36 : vector<16xi32>
      %select_n3A_115 = arith.select %ge3A_114, %shift_right_logical3A_109, %select_n3A_101 : vector<16xi1>, vector<16xi32>
      %add3A_116 = arith.constant 1 : i32
      %add3A_117 = vector.broadcast %add3A_116 : i32 to vector<16xi32>
      %add3A_118 = arith.addi %shift_right_logical3A_109, %add3A_117 : vector<16xi32>
      %select_n3A_119 = arith.select %ge3A_114, %select_n3A_105, %add3A_118 : vector<16xi1>, vector<16xi32>
      %add3A_120 = arith.addi %select_n3A_119, %select_n3A_115 : vector<16xi32>
      %shift_right_logical3A_121 = arith.constant 1 : i32
      %shift_right_logical3A_122 = vector.broadcast %shift_right_logical3A_121 : i32 to vector<16xi32>
      %shift_right_logical3A_123 = arith.shrui %add3A_120, %shift_right_logical3A_122 : vector<16xi32>
      %min3A_124 = arith.constant 4095 : i32
      %min3A_125 = vector.broadcast %min3A_124 : i32 to vector<16xi32>
      %min3A_126 = arith.minsi %shift_right_logical3A_123, %min3A_125 : vector<16xi32>
      %gather3A_127 = tpu.vector_load_idx %arg5[%min3A_126] : memref<4096xi32, #tpu.memory_space<vmem>>[vector<16xi32>], vector<16xi32>,
      %ge3A_128 = arith.cmpi sge, %gather3A_127, %add3A_36 : vector<16xi32>
      %select_n3A_129 = arith.select %ge3A_128, %shift_right_logical3A_123, %select_n3A_115 : vector<16xi1>, vector<16xi32>
      %add3A_130 = arith.constant 1 : i32
      %add3A_131 = vector.broadcast %add3A_130 : i32 to vector<16xi32>
      %add3A_132 = arith.addi %shift_right_logical3A_123, %add3A_131 : vector<16xi32>
      %select_n3A_133 = arith.select %ge3A_128, %select_n3A_119, %add3A_132 : vector<16xi1>, vector<16xi32>
      %add3A_134 = arith.addi %select_n3A_133, %select_n3A_129 : vector<16xi32>
      %shift_right_logical3A_135 = arith.constant 1 : i32
      %shift_right_logical3A_136 = vector.broadcast %shift_right_logical3A_135 : i32 to vector<16xi32>
      %shift_right_logical3A_137 = arith.shrui %add3A_134, %shift_right_logical3A_136 : vector<16xi32>
      %min3A_138 = arith.constant 4095 : i32
      %min3A_139 = vector.broadcast %min3A_138 : i32 to vector<16xi32>
      %min3A_140 = arith.minsi %shift_right_logical3A_137, %min3A_139 : vector<16xi32>
      %gather3A_141 = tpu.vector_load_idx %arg5[%min3A_140] : memref<4096xi32, #tpu.memory_space<vmem>>[vector<16xi32>], vector<16xi32>,
      %ge3A_142 = arith.cmpi sge, %gather3A_141, %add3A_36 : vector<16xi32>
      %select_n3A_143 = arith.select %ge3A_142, %shift_right_logical3A_137, %select_n3A_129 : vector<16xi1>, vector<16xi32>
      %add3A_144 = arith.constant 1 : i32
      %add3A_145 = vector.broadcast %add3A_144 : i32 to vector<16xi32>
      %add3A_146 = arith.addi %shift_right_logical3A_137, %add3A_145 : vector<16xi32>
      %select_n3A_147 = arith.select %ge3A_142, %select_n3A_133, %add3A_146 : vector<16xi1>, vector<16xi32>
      %add3A_148 = arith.addi %select_n3A_147, %select_n3A_143 : vector<16xi32>
      %shift_right_logical3A_149 = arith.constant 1 : i32
      %shift_right_logical3A_150 = vector.broadcast %shift_right_logical3A_149 : i32 to vector<16xi32>
      %shift_right_logical3A_151 = arith.shrui %add3A_148, %shift_right_logical3A_150 : vector<16xi32>
      %min3A_152 = arith.constant 4095 : i32
      %min3A_153 = vector.broadcast %min3A_152 : i32 to vector<16xi32>
      %min3A_154 = arith.minsi %shift_right_logical3A_151, %min3A_153 : vector<16xi32>
      %gather3A_155 = tpu.vector_load_idx %arg5[%min3A_154] : memref<4096xi32, #tpu.memory_space<vmem>>[vector<16xi32>], vector<16xi32>,
      %ge3A_156 = arith.cmpi sge, %gather3A_155, %add3A_36 : vector<16xi32>
      %select_n3A_157 = arith.select %ge3A_156, %shift_right_logical3A_151, %select_n3A_143 : vector<16xi1>, vector<16xi32>
      %add3A_158 = arith.constant 1 : i32
      %add3A_159 = vector.broadcast %add3A_158 : i32 to vector<16xi32>
      %add3A_160 = arith.addi %shift_right_logical3A_151, %add3A_159 : vector<16xi32>
      %select_n3A_161 = arith.select %ge3A_156, %select_n3A_147, %add3A_160 : vector<16xi1>, vector<16xi32>
      %add3A_162 = arith.addi %select_n3A_161, %select_n3A_157 : vector<16xi32>
      %shift_right_logical3A_163 = arith.constant 1 : i32
      %shift_right_logical3A_164 = vector.broadcast %shift_right_logical3A_163 : i32 to vector<16xi32>
      %shift_right_logical3A_165 = arith.shrui %add3A_162, %shift_right_logical3A_164 : vector<16xi32>
      %min3A_166 = arith.constant 4095 : i32
      %min3A_167 = vector.broadcast %min3A_166 : i32 to vector<16xi32>
      %min3A_168 = arith.minsi %shift_right_logical3A_165, %min3A_167 : vector<16xi32>
      %gather3A_169 = tpu.vector_load_idx %arg5[%min3A_168] : memref<4096xi32, #tpu.memory_space<vmem>>[vector<16xi32>], vector<16xi32>,
      %ge3A_170 = arith.cmpi sge, %gather3A_169, %add3A_36 : vector<16xi32>
      %select_n3A_171 = arith.select %ge3A_170, %shift_right_logical3A_165, %select_n3A_157 : vector<16xi1>, vector<16xi32>
      %add3A_172 = arith.constant 1 : i32
      %add3A_173 = vector.broadcast %add3A_172 : i32 to vector<16xi32>
      %add3A_174 = arith.addi %shift_right_logical3A_165, %add3A_173 : vector<16xi32>
      %select_n3A_175 = arith.select %ge3A_170, %select_n3A_161, %add3A_174 : vector<16xi1>, vector<16xi32>
      %add3A_176 = arith.addi %select_n3A_175, %select_n3A_171 : vector<16xi32>
      %shift_right_logical3A_177 = arith.constant 1 : i32
      %shift_right_logical3A_178 = vector.broadcast %shift_right_logical3A_177 : i32 to vector<16xi32>
      %shift_right_logical3A_179 = arith.shrui %add3A_176, %shift_right_logical3A_178 : vector<16xi32>
      %min3A_180 = arith.constant 4095 : i32
      %min3A_181 = vector.broadcast %min3A_180 : i32 to vector<16xi32>
      %min3A_182 = arith.minsi %shift_right_logical3A_179, %min3A_181 : vector<16xi32>
      %gather3A_183 = tpu.vector_load_idx %arg5[%min3A_182] : memref<4096xi32, #tpu.memory_space<vmem>>[vector<16xi32>], vector<16xi32>,
      %ge3A_184 = arith.cmpi sge, %gather3A_183, %add3A_36 : vector<16xi32>
      %select_n3A_185 = arith.select %ge3A_184, %shift_right_logical3A_179, %select_n3A_171 : vector<16xi1>, vector<16xi32>
      %add3A_186 = arith.constant 1 : i32
      %add3A_187 = vector.broadcast %add3A_186 : i32 to vector<16xi32>
      %add3A_188 = arith.addi %shift_right_logical3A_179, %add3A_187 : vector<16xi32>
      %select_n3A_189 = arith.select %ge3A_184, %select_n3A_175, %add3A_188 : vector<16xi1>, vector<16xi32>
      %add3A_190 = arith.addi %select_n3A_189, %select_n3A_185 : vector<16xi32>
      %shift_right_logical3A_191 = arith.constant 1 : i32
      %shift_right_logical3A_192 = vector.broadcast %shift_right_logical3A_191 : i32 to vector<16xi32>
      %shift_right_logical3A_193 = arith.shrui %add3A_190, %shift_right_logical3A_192 : vector<16xi32>
      %min3A_194 = arith.constant 4095 : i32
      %min3A_195 = vector.broadcast %min3A_194 : i32 to vector<16xi32>
      %min3A_196 = arith.minsi %shift_right_logical3A_193, %min3A_195 : vector<16xi32>
      %gather3A_197 = tpu.vector_load_idx %arg5[%min3A_196] : memref<4096xi32, #tpu.memory_space<vmem>>[vector<16xi32>], vector<16xi32>,
      %ge3A_198 = arith.cmpi sge, %gather3A_197, %add3A_36 : vector<16xi32>
      %select_n3A_199 = arith.select %ge3A_198, %shift_right_logical3A_193, %select_n3A_185 : vector<16xi1>, vector<16xi32>
      %add3A_200 = arith.constant 1 : i32
      %add3A_201 = vector.broadcast %add3A_200 : i32 to vector<16xi32>
      %add3A_202 = arith.addi %shift_right_logical3A_193, %add3A_201 : vector<16xi32>
      %select_n3A_203 = arith.select %ge3A_198, %select_n3A_189, %add3A_202 : vector<16xi1>, vector<16xi32>
      %add3A_204 = arith.addi %select_n3A_203, %select_n3A_199 : vector<16xi32>
      %shift_right_logical3A_205 = arith.constant 1 : i32
      %shift_right_logical3A_206 = vector.broadcast %shift_right_logical3A_205 : i32 to vector<16xi32>
      %shift_right_logical3A_207 = arith.shrui %add3A_204, %shift_right_logical3A_206 : vector<16xi32>
      %min3A_208 = arith.constant 4095 : i32
      %min3A_209 = vector.broadcast %min3A_208 : i32 to vector<16xi32>
      %min3A_210 = arith.minsi %shift_right_logical3A_207, %min3A_209 : vector<16xi32>
      %gather3A_211 = tpu.vector_load_idx %arg5[%min3A_210] : memref<4096xi32, #tpu.memory_space<vmem>>[vector<16xi32>], vector<16xi32>,
      %ge3A_212 = arith.cmpi sge, %gather3A_211, %add3A_36 : vector<16xi32>
      %select_n3A_213 = arith.select %ge3A_212, %shift_right_logical3A_207, %select_n3A_199 : vector<16xi1>, vector<16xi32>
      %add3A_214 = arith.constant 1 : i32
      %add3A_215 = vector.broadcast %add3A_214 : i32 to vector<16xi32>
      %add3A_216 = arith.addi %shift_right_logical3A_207, %add3A_215 : vector<16xi32>
      %select_n3A_217 = arith.select %ge3A_212, %select_n3A_203, %add3A_216 : vector<16xi1>, vector<16xi32>
      %min3A_218 = arith.constant 4095 : i32
      %min3A_219 = vector.broadcast %min3A_218 : i32 to vector<16xi32>
      %min3A_220 = arith.minsi %select_n3A_217, %min3A_219 : vector<16xi32>
      %add3A_221 = vector.broadcast %mul3A_30 : i32 to vector<16xi32>
      %add3A_222 = arith.addi %add3A_221, %min3A_220 : vector<16xi32>
      %swap3A = arith.constant 0 : index
      %swap3A_223 = tpu.vector_load %arg6[%swap3A] {strides = array<i32>} : memref<32xi32, #tpu.memory_space<vmem>>, vector<16xi32>,
      tpu.vector_store %arg6[%swap3A], %add3A_222 {strides = array<i32>} : memref<32xi32, #tpu.memory_space<vmem>>, vector<16xi32>,
      %add3A_224 = arith.constant 16 : i32
      %add3A_225 = vector.broadcast %add3A_224 : i32 to vector<16xi32>
      %add3A_226 = arith.addi %add3A_225, %iota3A : vector<16xi32>
      %add3A_227 = arith.constant 1 : i32
      %add3A_228 = vector.broadcast %add3A_227 : i32 to vector<16xi32>
      %add3A_229 = arith.addi %add3A_226, %add3A_228 : vector<16xi32>
      %broadcast_in_dim3A_230 = arith.constant 4096 : i32
      %broadcast_in_dim3A_231 = vector.broadcast %broadcast_in_dim3A_230 : i32 to vector<16xi32>
      %add3A_232 = arith.addi %broadcast_in_dim3A_1, %broadcast_in_dim3A_231 : vector<16xi32>
      %shift_right_logical3A_233 = arith.constant 1 : i32
      %shift_right_logical3A_234 = vector.broadcast %shift_right_logical3A_233 : i32 to vector<16xi32>
      %shift_right_logical3A_235 = arith.shrui %add3A_232, %shift_right_logical3A_234 : vector<16xi32>
      %min3A_236 = arith.constant 4095 : i32
      %min3A_237 = vector.broadcast %min3A_236 : i32 to vector<16xi32>
      %min3A_238 = arith.minsi %shift_right_logical3A_235, %min3A_237 : vector<16xi32>
      %gather3A_239 = tpu.vector_load_idx %arg5[%min3A_238] : memref<4096xi32, #tpu.memory_space<vmem>>[vector<16xi32>], vector<16xi32>,
      %ge3A_240 = arith.cmpi sge, %gather3A_239, %add3A_229 : vector<16xi32>
      %select_n3A_241 = arith.select %ge3A_240, %shift_right_logical3A_235, %broadcast_in_dim3A_231 : vector<16xi1>, vector<16xi32>
      %add3A_242 = arith.constant 1 : i32
      %add3A_243 = vector.broadcast %add3A_242 : i32 to vector<16xi32>
      %add3A_244 = arith.addi %shift_right_logical3A_235, %add3A_243 : vector<16xi32>
      %select_n3A_245 = arith.select %ge3A_240, %broadcast_in_dim3A_1, %add3A_244 : vector<16xi1>, vector<16xi32>
      %add3A_246 = arith.addi %select_n3A_245, %select_n3A_241 : vector<16xi32>
      %shift_right_logical3A_247 = arith.constant 1 : i32
      %shift_right_logical3A_248 = vector.broadcast %shift_right_logical3A_247 : i32 to vector<16xi32>
      %shift_right_logical3A_249 = arith.shrui %add3A_246, %shift_right_logical3A_248 : vector<16xi32>
      %min3A_250 = arith.constant 4095 : i32
      %min3A_251 = vector.broadcast %min3A_250 : i32 to vector<16xi32>
      %min3A_252 = arith.minsi %shift_right_logical3A_249, %min3A_251 : vector<16xi32>
      %gather3A_253 = tpu.vector_load_idx %arg5[%min3A_252] : memref<4096xi32, #tpu.memory_space<vmem>>[vector<16xi32>], vector<16xi32>,
      %ge3A_254 = arith.cmpi sge, %gather3A_253, %add3A_229 : vector<16xi32>
      %select_n3A_255 = arith.select %ge3A_254, %shift_right_logical3A_249, %select_n3A_241 : vector<16xi1>, vector<16xi32>
      %add3A_256 = arith.constant 1 : i32
      %add3A_257 = vector.broadcast %add3A_256 : i32 to vector<16xi32>
      %add3A_258 = arith.addi %shift_right_logical3A_249, %add3A_257 : vector<16xi32>
      %select_n3A_259 = arith.select %ge3A_254, %select_n3A_245, %add3A_258 : vector<16xi1>, vector<16xi32>
      %add3A_260 = arith.addi %select_n3A_259, %select_n3A_255 : vector<16xi32>
      %shift_right_logical3A_261 = arith.constant 1 : i32
      %shift_right_logical3A_262 = vector.broadcast %shift_right_logical3A_261 : i32 to vector<16xi32>
      %shift_right_logical3A_263 = arith.shrui %add3A_260, %shift_right_logical3A_262 : vector<16xi32>
      %min3A_264 = arith.constant 4095 : i32
      %min3A_265 = vector.broadcast %min3A_264 : i32 to vector<16xi32>
      %min3A_266 = arith.minsi %shift_right_logical3A_263, %min3A_265 : vector<16xi32>
      %gather3A_267 = tpu.vector_load_idx %arg5[%min3A_266] : memref<4096xi32, #tpu.memory_space<vmem>>[vector<16xi32>], vector<16xi32>,
      %ge3A_268 = arith.cmpi sge, %gather3A_267, %add3A_229 : vector<16xi32>
      %select_n3A_269 = arith.select %ge3A_268, %shift_right_logical3A_263, %select_n3A_255 : vector<16xi1>, vector<16xi32>
      %add3A_270 = arith.constant 1 : i32
      %add3A_271 = vector.broadcast %add3A_270 : i32 to vector<16xi32>
      %add3A_272 = arith.addi %shift_right_logical3A_263, %add3A_271 : vector<16xi32>
      %select_n3A_273 = arith.select %ge3A_268, %select_n3A_259, %add3A_272 : vector<16xi1>, vector<16xi32>
      %add3A_274 = arith.addi %select_n3A_273, %select_n3A_269 : vector<16xi32>
      %shift_right_logical3A_275 = arith.constant 1 : i32
      %shift_right_logical3A_276 = vector.broadcast %shift_right_logical3A_275 : i32 to vector<16xi32>
      %shift_right_logical3A_277 = arith.shrui %add3A_274, %shift_right_logical3A_276 : vector<16xi32>
      %min3A_278 = arith.constant 4095 : i32
      %min3A_279 = vector.broadcast %min3A_278 : i32 to vector<16xi32>
      %min3A_280 = arith.minsi %shift_right_logical3A_277, %min3A_279 : vector<16xi32>
      %gather3A_281 = tpu.vector_load_idx %arg5[%min3A_280] : memref<4096xi32, #tpu.memory_space<vmem>>[vector<16xi32>], vector<16xi32>,
      %ge3A_282 = arith.cmpi sge, %gather3A_281, %add3A_229 : vector<16xi32>
      %select_n3A_283 = arith.select %ge3A_282, %shift_right_logical3A_277, %select_n3A_269 : vector<16xi1>, vector<16xi32>
      %add3A_284 = arith.constant 1 : i32
      %add3A_285 = vector.broadcast %add3A_284 : i32 to vector<16xi32>
      %add3A_286 = arith.addi %shift_right_logical3A_277, %add3A_285 : vector<16xi32>
      %select_n3A_287 = arith.select %ge3A_282, %select_n3A_273, %add3A_286 : vector<16xi1>, vector<16xi32>
      %add3A_288 = arith.addi %select_n3A_287, %select_n3A_283 : vector<16xi32>
      %shift_right_logical3A_289 = arith.constant 1 : i32
      %shift_right_logical3A_290 = vector.broadcast %shift_right_logical3A_289 : i32 to vector<16xi32>
      %shift_right_logical3A_291 = arith.shrui %add3A_288, %shift_right_logical3A_290 : vector<16xi32>
      %min3A_292 = arith.constant 4095 : i32
      %min3A_293 = vector.broadcast %min3A_292 : i32 to vector<16xi32>
      %min3A_294 = arith.minsi %shift_right_logical3A_291, %min3A_293 : vector<16xi32>
      %gather3A_295 = tpu.vector_load_idx %arg5[%min3A_294] : memref<4096xi32, #tpu.memory_space<vmem>>[vector<16xi32>], vector<16xi32>,
      %ge3A_296 = arith.cmpi sge, %gather3A_295, %add3A_229 : vector<16xi32>
      %select_n3A_297 = arith.select %ge3A_296, %shift_right_logical3A_291, %select_n3A_283 : vector<16xi1>, vector<16xi32>
      %add3A_298 = arith.constant 1 : i32
      %add3A_299 = vector.broadcast %add3A_298 : i32 to vector<16xi32>
      %add3A_300 = arith.addi %shift_right_logical3A_291, %add3A_299 : vector<16xi32>
      %select_n3A_301 = arith.select %ge3A_296, %select_n3A_287, %add3A_300 : vector<16xi1>, vector<16xi32>
      %add3A_302 = arith.addi %select_n3A_301, %select_n3A_297 : vector<16xi32>
      %shift_right_logical3A_303 = arith.constant 1 : i32
      %shift_right_logical3A_304 = vector.broadcast %shift_right_logical3A_303 : i32 to vector<16xi32>
      %shift_right_logical3A_305 = arith.shrui %add3A_302, %shift_right_logical3A_304 : vector<16xi32>
      %min3A_306 = arith.constant 4095 : i32
      %min3A_307 = vector.broadcast %min3A_306 : i32 to vector<16xi32>
      %min3A_308 = arith.minsi %shift_right_logical3A_305, %min3A_307 : vector<16xi32>
      %gather3A_309 = tpu.vector_load_idx %arg5[%min3A_308] : memref<4096xi32, #tpu.memory_space<vmem>>[vector<16xi32>], vector<16xi32>,
      %ge3A_310 = arith.cmpi sge, %gather3A_309, %add3A_229 : vector<16xi32>
      %select_n3A_311 = arith.select %ge3A_310, %shift_right_logical3A_305, %select_n3A_297 : vector<16xi1>, vector<16xi32>
      %add3A_312 = arith.constant 1 : i32
      %add3A_313 = vector.broadcast %add3A_312 : i32 to vector<16xi32>
      %add3A_314 = arith.addi %shift_right_logical3A_305, %add3A_313 : vector<16xi32>
      %select_n3A_315 = arith.select %ge3A_310, %select_n3A_301, %add3A_314 : vector<16xi1>, vector<16xi32>
      %add3A_316 = arith.addi %select_n3A_315, %select_n3A_311 : vector<16xi32>
      %shift_right_logical3A_317 = arith.constant 1 : i32
      %shift_right_logical3A_318 = vector.broadcast %shift_right_logical3A_317 : i32 to vector<16xi32>
      %shift_right_logical3A_319 = arith.shrui %add3A_316, %shift_right_logical3A_318 : vector<16xi32>
      %min3A_320 = arith.constant 4095 : i32
      %min3A_321 = vector.broadcast %min3A_320 : i32 to vector<16xi32>
      %min3A_322 = arith.minsi %shift_right_logical3A_319, %min3A_321 : vector<16xi32>
      %gather3A_323 = tpu.vector_load_idx %arg5[%min3A_322] : memref<4096xi32, #tpu.memory_space<vmem>>[vector<16xi32>], vector<16xi32>,
      %ge3A_324 = arith.cmpi sge, %gather3A_323, %add3A_229 : vector<16xi32>
      %select_n3A_325 = arith.select %ge3A_324, %shift_right_logical3A_319, %select_n3A_311 : vector<16xi1>, vector<16xi32>
      %add3A_326 = arith.constant 1 : i32
      %add3A_327 = vector.broadcast %add3A_326 : i32 to vector<16xi32>
      %add3A_328 = arith.addi %shift_right_logical3A_319, %add3A_327 : vector<16xi32>
      %select_n3A_329 = arith.select %ge3A_324, %select_n3A_315, %add3A_328 : vector<16xi1>, vector<16xi32>
      %add3A_330 = arith.addi %select_n3A_329, %select_n3A_325 : vector<16xi32>
      %shift_right_logical3A_331 = arith.constant 1 : i32
      %shift_right_logical3A_332 = vector.broadcast %shift_right_logical3A_331 : i32 to vector<16xi32>
      %shift_right_logical3A_333 = arith.shrui %add3A_330, %shift_right_logical3A_332 : vector<16xi32>
      %min3A_334 = arith.constant 4095 : i32
      %min3A_335 = vector.broadcast %min3A_334 : i32 to vector<16xi32>
      %min3A_336 = arith.minsi %shift_right_logical3A_333, %min3A_335 : vector<16xi32>
      %gather3A_337 = tpu.vector_load_idx %arg5[%min3A_336] : memref<4096xi32, #tpu.memory_space<vmem>>[vector<16xi32>], vector<16xi32>,
      %ge3A_338 = arith.cmpi sge, %gather3A_337, %add3A_229 : vector<16xi32>
      %select_n3A_339 = arith.select %ge3A_338, %shift_right_logical3A_333, %select_n3A_325 : vector<16xi1>, vector<16xi32>
      %add3A_340 = arith.constant 1 : i32
      %add3A_341 = vector.broadcast %add3A_340 : i32 to vector<16xi32>
      %add3A_342 = arith.addi %shift_right_logical3A_333, %add3A_341 : vector<16xi32>
      %select_n3A_343 = arith.select %ge3A_338, %select_n3A_329, %add3A_342 : vector<16xi1>, vector<16xi32>
      %add3A_344 = arith.addi %select_n3A_343, %select_n3A_339 : vector<16xi32>
      %shift_right_logical3A_345 = arith.constant 1 : i32
      %shift_right_logical3A_346 = vector.broadcast %shift_right_logical3A_345 : i32 to vector<16xi32>
      %shift_right_logical3A_347 = arith.shrui %add3A_344, %shift_right_logical3A_346 : vector<16xi32>
      %min3A_348 = arith.constant 4095 : i32
      %min3A_349 = vector.broadcast %min3A_348 : i32 to vector<16xi32>
      %min3A_350 = arith.minsi %shift_right_logical3A_347, %min3A_349 : vector<16xi32>
      %gather3A_351 = tpu.vector_load_idx %arg5[%min3A_350] : memref<4096xi32, #tpu.memory_space<vmem>>[vector<16xi32>], vector<16xi32>,
      %ge3A_352 = arith.cmpi sge, %gather3A_351, %add3A_229 : vector<16xi32>
      %select_n3A_353 = arith.select %ge3A_352, %shift_right_logical3A_347, %select_n3A_339 : vector<16xi1>, vector<16xi32>
      %add3A_354 = arith.constant 1 : i32
      %add3A_355 = vector.broadcast %add3A_354 : i32 to vector<16xi32>
      %add3A_356 = arith.addi %shift_right_logical3A_347, %add3A_355 : vector<16xi32>
      %select_n3A_357 = arith.select %ge3A_352, %select_n3A_343, %add3A_356 : vector<16xi1>, vector<16xi32>
      %add3A_358 = arith.addi %select_n3A_357, %select_n3A_353 : vector<16xi32>
      %shift_right_logical3A_359 = arith.constant 1 : i32
      %shift_right_logical3A_360 = vector.broadcast %shift_right_logical3A_359 : i32 to vector<16xi32>
      %shift_right_logical3A_361 = arith.shrui %add3A_358, %shift_right_logical3A_360 : vector<16xi32>
      %min3A_362 = arith.constant 4095 : i32
      %min3A_363 = vector.broadcast %min3A_362 : i32 to vector<16xi32>
      %min3A_364 = arith.minsi %shift_right_logical3A_361, %min3A_363 : vector<16xi32>
      %gather3A_365 = tpu.vector_load_idx %arg5[%min3A_364] : memref<4096xi32, #tpu.memory_space<vmem>>[vector<16xi32>], vector<16xi32>,
      %ge3A_366 = arith.cmpi sge, %gather3A_365, %add3A_229 : vector<16xi32>
      %select_n3A_367 = arith.select %ge3A_366, %shift_right_logical3A_361, %select_n3A_353 : vector<16xi1>, vector<16xi32>
      %add3A_368 = arith.constant 1 : i32
      %add3A_369 = vector.broadcast %add3A_368 : i32 to vector<16xi32>
      %add3A_370 = arith.addi %shift_right_logical3A_361, %add3A_369 : vector<16xi32>
      %select_n3A_371 = arith.select %ge3A_366, %select_n3A_357, %add3A_370 : vector<16xi1>, vector<16xi32>
      %add3A_372 = arith.addi %select_n3A_371, %select_n3A_367 : vector<16xi32>
      %shift_right_logical3A_373 = arith.constant 1 : i32
      %shift_right_logical3A_374 = vector.broadcast %shift_right_logical3A_373 : i32 to vector<16xi32>
      %shift_right_logical3A_375 = arith.shrui %add3A_372, %shift_right_logical3A_374 : vector<16xi32>
      %min3A_376 = arith.constant 4095 : i32
      %min3A_377 = vector.broadcast %min3A_376 : i32 to vector<16xi32>
      %min3A_378 = arith.minsi %shift_right_logical3A_375, %min3A_377 : vector<16xi32>
      %gather3A_379 = tpu.vector_load_idx %arg5[%min3A_378] : memref<4096xi32, #tpu.memory_space<vmem>>[vector<16xi32>], vector<16xi32>,
      %ge3A_380 = arith.cmpi sge, %gather3A_379, %add3A_229 : vector<16xi32>
      %select_n3A_381 = arith.select %ge3A_380, %shift_right_logical3A_375, %select_n3A_367 : vector<16xi1>, vector<16xi32>
      %add3A_382 = arith.constant 1 : i32
      %add3A_383 = vector.broadcast %add3A_382 : i32 to vector<16xi32>
      %add3A_384 = arith.addi %shift_right_logical3A_375, %add3A_383 : vector<16xi32>
      %select_n3A_385 = arith.select %ge3A_380, %select_n3A_371, %add3A_384 : vector<16xi1>, vector<16xi32>
      %add3A_386 = arith.addi %select_n3A_385, %select_n3A_381 : vector<16xi32>
      %shift_right_logical3A_387 = arith.constant 1 : i32
      %shift_right_logical3A_388 = vector.broadcast %shift_right_logical3A_387 : i32 to vector<16xi32>
      %shift_right_logical3A_389 = arith.shrui %add3A_386, %shift_right_logical3A_388 : vector<16xi32>
      %min3A_390 = arith.constant 4095 : i32
      %min3A_391 = vector.broadcast %min3A_390 : i32 to vector<16xi32>
      %min3A_392 = arith.minsi %shift_right_logical3A_389, %min3A_391 : vector<16xi32>
      %gather3A_393 = tpu.vector_load_idx %arg5[%min3A_392] : memref<4096xi32, #tpu.memory_space<vmem>>[vector<16xi32>], vector<16xi32>,
      %ge3A_394 = arith.cmpi sge, %gather3A_393, %add3A_229 : vector<16xi32>
      %select_n3A_395 = arith.select %ge3A_394, %shift_right_logical3A_389, %select_n3A_381 : vector<16xi1>, vector<16xi32>
      %add3A_396 = arith.constant 1 : i32
      %add3A_397 = vector.broadcast %add3A_396 : i32 to vector<16xi32>
      %add3A_398 = arith.addi %shift_right_logical3A_389, %add3A_397 : vector<16xi32>
      %select_n3A_399 = arith.select %ge3A_394, %select_n3A_385, %add3A_398 : vector<16xi1>, vector<16xi32>
      %add3A_400 = arith.addi %select_n3A_399, %select_n3A_395 : vector<16xi32>
      %shift_right_logical3A_401 = arith.constant 1 : i32
      %shift_right_logical3A_402 = vector.broadcast %shift_right_logical3A_401 : i32 to vector<16xi32>
      %shift_right_logical3A_403 = arith.shrui %add3A_400, %shift_right_logical3A_402 : vector<16xi32>
      %min3A_404 = arith.constant 4095 : i32
      %min3A_405 = vector.broadcast %min3A_404 : i32 to vector<16xi32>
      %min3A_406 = arith.minsi %shift_right_logical3A_403, %min3A_405 : vector<16xi32>
      %gather3A_407 = tpu.vector_load_idx %arg5[%min3A_406] : memref<4096xi32, #tpu.memory_space<vmem>>[vector<16xi32>], vector<16xi32>,
      %ge3A_408 = arith.cmpi sge, %gather3A_407, %add3A_229 : vector<16xi32>
      %select_n3A_409 = arith.select %ge3A_408, %shift_right_logical3A_403, %select_n3A_395 : vector<16xi1>, vector<16xi32>
      %add3A_410 = arith.constant 1 : i32
      %add3A_411 = vector.broadcast %add3A_410 : i32 to vector<16xi32>
      %add3A_412 = arith.addi %shift_right_logical3A_403, %add3A_411 : vector<16xi32>
      %select_n3A_413 = arith.select %ge3A_408, %select_n3A_399, %add3A_412 : vector<16xi1>, vector<16xi32>
      %min3A_414 = arith.constant 4095 : i32
      %min3A_415 = vector.broadcast %min3A_414 : i32 to vector<16xi32>
      %min3A_416 = arith.minsi %select_n3A_413, %min3A_415 : vector<16xi32>
      %add3A_417 = vector.broadcast %mul3A_30 : i32 to vector<16xi32>
      %add3A_418 = arith.addi %add3A_417, %min3A_416 : vector<16xi32>
      %swap3A_419 = arith.constant 16 : index
      %swap3A_420 = tpu.vector_load %arg6[%swap3A_419] {strides = array<i32>} : memref<32xi32, #tpu.memory_space<vmem>>, vector<16xi32>,
      tpu.vector_store %arg6[%swap3A_419], %add3A_418 {strides = array<i32>} : memref<32xi32, #tpu.memory_space<vmem>>, vector<16xi32>,
      %gather3A_421 = tpu.vector_load_idx %arg6[%broadcast_in_dim3A_1] : memref<32xi32, #tpu.memory_space<vmem>>[vector<16xi32>], vector<16xi32>,
      %add3A_422 = arith.constant 0 : i32
      %add3A_423 = vector.broadcast %add3A_422 : i32 to vector<16xi32>
      %add3A_424 = arith.addi %add3A_423, %iota3A : vector<16xi32>
      %get3A = arith.constant 0 : index
      %get3A_425 = tpu.vector_load %arg6[%get3A] {strides = array<i32>} : memref<32xi32, #tpu.memory_space<vmem>>, vector<16xi32>,
      %lt3A = arith.cmpi slt, %add3A_424, %gather3A : vector<16xi32>
      %select_n3A_426 = arith.select %lt3A, %get3A_425, %gather3A_421 : vector<16xi1>, vector<16xi32>
      %swap3A_427 = arith.constant 0 : index
      %swap3A_428 = tpu.vector_load %arg6[%swap3A_427] {strides = array<i32>} : memref<32xi32, #tpu.memory_space<vmem>>, vector<16xi32>,
      tpu.vector_store %arg6[%swap3A_427], %select_n3A_426 {strides = array<i32>} : memref<32xi32, #tpu.memory_space<vmem>>, vector<16xi32>,
      %add3A_429 = arith.constant 16 : i32
      %add3A_430 = vector.broadcast %add3A_429 : i32 to vector<16xi32>
      %add3A_431 = arith.addi %add3A_430, %iota3A : vector<16xi32>
      %get3A_432 = arith.constant 16 : index
      %get3A_433 = tpu.vector_load %arg6[%get3A_432] {strides = array<i32>} : memref<32xi32, #tpu.memory_space<vmem>>, vector<16xi32>,
      %lt3A_434 = arith.cmpi slt, %add3A_431, %gather3A : vector<16xi32>
      %select_n3A_435 = arith.select %lt3A_434, %get3A_433, %gather3A_421 : vector<16xi1>, vector<16xi32>
      %swap3A_436 = arith.constant 16 : index
      %swap3A_437 = tpu.vector_load %arg6[%swap3A_436] {strides = array<i32>} : memref<32xi32, #tpu.memory_space<vmem>>, vector<16xi32>,
      tpu.vector_store %arg6[%swap3A_436], %select_n3A_435 {strides = array<i32>} : memref<32xi32, #tpu.memory_space<vmem>>, vector<16xi32>,
      %dma_start3A = arith.constant 0 : i32
      %dma_start3A_438 = arith.constant 0 : i32
      %dma_start3A_439 = tpu.memref_slice %arg3[%dma_start3A, %dma_start3A_438] : memref<65536x128xf32, #tpu.memory_space<hbm>> -> memref<65536x128xf32, #tpu.memory_space<hbm>>
      tpu.enqueue_indirect_dma source(%dma_start3A_439 : memref<65536x128xf32, #tpu.memory_space<hbm>>) target(%arg7 : memref<32x128xf32, #tpu.memory_space<vmem>>) offsets(%arg6 : memref<32xi32, #tpu.memory_space<vmem>>) semaphore(%arg8 : memref<!tpu.dma_semaphore, #tpu.memory_space<semaphore_mem>>)
      %dma_wait3A = arith.constant 0 : i32
      %dma_wait3A_440 = arith.constant 0 : i32
      %dma_wait3A_441 = tpu.memref_slice %arg3[%dma_wait3A, %dma_wait3A_440] : memref<65536x128xf32, #tpu.memory_space<hbm>> -> memref<65536x128xf32, #tpu.memory_space<hbm>>
      tpu.wait_indirect_dma semaphore(%arg8 : memref<!tpu.dma_semaphore, #tpu.memory_space<semaphore_mem>>) src(%dma_wait3A_441 : memref<65536x128xf32, #tpu.memory_space<hbm>>) dst(%arg7 : memref<32x128xf32, #tpu.memory_space<vmem>>)
      "tpu.region"() ({
        %run_scoped3A = tpu.sem_alloc : memref<!tpu.dma_semaphore, #tpu.memory_space<semaphore_mem>>
        %dma_start3A_442 = arith.constant 0 : i32
        %dma_start3A_443 = arith.constant 0 : i32
        %dma_start3A_444 = tpu.memref_slice %arg4[%add3A_12, %dma_start3A_442, %dma_start3A_443] : memref<8192x32x128xf32, #tpu.memory_space<hbm>> -> memref<1x32x128xf32, #tpu.memory_space<hbm>>
        %dma_start3A_445 = tpu.memref_squeeze %dma_start3A_444 : memref<1x32x128xf32, #tpu.memory_space<hbm>> -> memref<32x128xf32, #tpu.memory_space<hbm>>
        %dma_start3A_446 = arith.constant 0 : i32
        %dma_start3A_447 = arith.constant 0 : i32
        %dma_start3A_448 = tpu.memref_slice %arg4[%add3A_12, %dma_start3A_446, %dma_start3A_447] : memref<8192x32x128xf32, #tpu.memory_space<hbm>> -> memref<1x32x128xf32, #tpu.memory_space<hbm>>
        %dma_start3A_449 = tpu.memref_squeeze %dma_start3A_448 : memref<1x32x128xf32, #tpu.memory_space<hbm>> -> memref<32x128xf32, #tpu.memory_space<hbm>>
        tpu.enqueue_dma source(%arg7 : memref<32x128xf32, #tpu.memory_space<vmem>>) target(%dma_start3A_449 : memref<32x128xf32, #tpu.memory_space<hbm>>) target_semaphore(%run_scoped3A : memref<!tpu.dma_semaphore, #tpu.memory_space<semaphore_mem>>)
        %dma_wait3A_450 = arith.constant 0 : i32
        %dma_wait3A_451 = arith.constant 0 : i32
        %dma_wait3A_452 = tpu.memref_slice %arg4[%add3A_12, %dma_wait3A_450, %dma_wait3A_451] : memref<8192x32x128xf32, #tpu.memory_space<hbm>> -> memref<1x32x128xf32, #tpu.memory_space<hbm>>
        %dma_wait3A_453 = tpu.memref_squeeze %dma_wait3A_452 : memref<1x32x128xf32, #tpu.memory_space<hbm>> -> memref<32x128xf32, #tpu.memory_space<hbm>>
        %dma_wait3A_454 = arith.constant 0 : i32
        %dma_wait3A_455 = arith.constant 0 : i32
        %dma_wait3A_456 = tpu.memref_slice %arg4[%add3A_12, %dma_wait3A_454, %dma_wait3A_455] : memref<8192x32x128xf32, #tpu.memory_space<hbm>> -> memref<1x32x128xf32, #tpu.memory_space<hbm>>
        %dma_wait3A_457 = tpu.memref_squeeze %dma_wait3A_456 : memref<1x32x128xf32, #tpu.memory_space<hbm>> -> memref<32x128xf32, #tpu.memory_space<hbm>>
        tpu.wait_dma2 semaphore(%run_scoped3A : memref<!tpu.dma_semaphore, #tpu.memory_space<semaphore_mem>>) src(%arg7 : memref<32x128xf32, #tpu.memory_space<vmem>>) dst(%dma_wait3A_457 : memref<32x128xf32, #tpu.memory_space<hbm>>)
        tpu.yield
      }) : () -> ()
    }
    %scan3A_8 = arith.constant 256 : i32
    return
  }
}

module attributes {stable_mosaic.version = 14 : i64} {
  func.func @_fps_body(%arg0: memref<3x16x4096xf32, #tpu.memory_space<vmem>>, %arg1: memref<16x1xi32, #tpu.memory_space<vmem>>, %arg2: memref<512x16xf32, #tpu.memory_space<vmem>>, %arg3: memref<512x16xf32, #tpu.memory_space<vmem>>, %arg4: memref<512x16xf32, #tpu.memory_space<vmem>>, %arg5: memref<16x4096xf32, #tpu.memory_space<vmem>>) attributes {dimension_semantics = [], scalar_prefetch = 0 : i64, scratch_operands = 1 : i64, tpu.core_type = #tpu.core_type<tc>} {
    %iota3A = tpu.iota {dimensions = array<i32: 1>} : vector<16x4096xi32>
    %broadcast_in_dim3A = arith.constant 1.000000e+10 : f32
    %broadcast_in_dim3A_0 = vector.broadcast %broadcast_in_dim3A : f32 to vector<16x4096xf32>
    %swap3A = arith.constant 0 : index
    %swap3A_1 = arith.constant 0 : index
    %swap3A_2 = vector.load %arg5[%swap3A, %swap3A_1] : memref<16x4096xf32, #tpu.memory_space<vmem>>, vector<16x4096xf32>
    tpu.vector_store %arg5[%swap3A, %swap3A_1], %broadcast_in_dim3A_0 {strides = array<i32>} : memref<16x4096xf32, #tpu.memory_space<vmem>>, vector<16x4096xf32>,
    %get3A = arith.constant 0 : index
    %get3A_3 = arith.constant 0 : index
    %get3A_4 = vector.load %arg1[%get3A, %get3A_3] : memref<16x1xi32, #tpu.memory_space<vmem>>, vector<16x1xi32>
    %scan3A = arith.constant 0 : i32
    %scan3A_5 = arith.constant 512 : i32
    %scan3A_6 = arith.addi %scan3A, %scan3A_5 : i32
    %scan3A_7 = arith.constant 1 : i32
    %scan3A_8 = scf.for %scan3A_10 = %scan3A to %scan3A_6 step %scan3A_7 iter_args(%scan3A_11 = %get3A_4) -> (vector<16x1xi32>)  : i32 {
      %get3A_12 = arith.constant 0 : index
      %get3A_13 = arith.constant 0 : index
      %get3A_14 = arith.constant 0 : index
      %get3A_15 = vector.load %arg0[%get3A_12, %get3A_13, %get3A_14] : memref<3x16x4096xf32, #tpu.memory_space<vmem>>, vector<1x16x4096xf32>
      %get3A_16 = vector.shape_cast %get3A_15 : vector<1x16x4096xf32> to vector<16x4096xf32>
      %get3A_17 = arith.constant 1 : index
      %get3A_18 = arith.constant 0 : index
      %get3A_19 = arith.constant 0 : index
      %get3A_20 = vector.load %arg0[%get3A_17, %get3A_18, %get3A_19] : memref<3x16x4096xf32, #tpu.memory_space<vmem>>, vector<1x16x4096xf32>
      %get3A_21 = vector.shape_cast %get3A_20 : vector<1x16x4096xf32> to vector<16x4096xf32>
      %get3A_22 = arith.constant 2 : index
      %get3A_23 = arith.constant 0 : index
      %get3A_24 = arith.constant 0 : index
      %get3A_25 = vector.load %arg0[%get3A_22, %get3A_23, %get3A_24] : memref<3x16x4096xf32, #tpu.memory_space<vmem>>, vector<1x16x4096xf32>
      %get3A_26 = vector.shape_cast %get3A_25 : vector<1x16x4096xf32> to vector<16x4096xf32>
      %eq3A = vector.broadcast %scan3A_11 : vector<16x1xi32> to vector<16x4096xi32>
      %eq3A_27 = arith.cmpi eq, %iota3A, %eq3A : vector<16x4096xi32>
      %jit3A = arith.constant 0.000000e+00 : f32
      %broadcast_in_dim3A_28 = vector.broadcast %jit3A : f32 to vector<16x4096xf32>
      %select_n3A = arith.select %eq3A_27, %get3A_16, %broadcast_in_dim3A_28 : vector<16x4096xi1>, vector<16x4096xf32>
      %reduce_sum3A = arith.constant dense<0.000000e+00> : vector<16xf32>
      %reduce_sum3A_29 = vector.multi_reduction <add>, %select_n3A, %reduce_sum3A [1] : vector<16x4096xf32> to vector<16xf32>
      %broadcast_in_dim3A_30 = vector.shape_cast %reduce_sum3A_29 : vector<16xf32> to vector<16x1xf32>
      %jit3A_31 = arith.constant 0.000000e+00 : f32
      %broadcast_in_dim3A_32 = vector.broadcast %jit3A_31 : f32 to vector<16x4096xf32>
      %select_n3A_33 = arith.select %eq3A_27, %get3A_21, %broadcast_in_dim3A_32 : vector<16x4096xi1>, vector<16x4096xf32>
      %reduce_sum3A_34 = arith.constant dense<0.000000e+00> : vector<16xf32>
      %reduce_sum3A_35 = vector.multi_reduction <add>, %select_n3A_33, %reduce_sum3A_34 [1] : vector<16x4096xf32> to vector<16xf32>
      %broadcast_in_dim3A_36 = vector.shape_cast %reduce_sum3A_35 : vector<16xf32> to vector<16x1xf32>
      %jit3A_37 = arith.constant 0.000000e+00 : f32
      %broadcast_in_dim3A_38 = vector.broadcast %jit3A_37 : f32 to vector<16x4096xf32>
      %select_n3A_39 = arith.select %eq3A_27, %get3A_26, %broadcast_in_dim3A_38 : vector<16x4096xi1>, vector<16x4096xf32>
      %reduce_sum3A_40 = arith.constant dense<0.000000e+00> : vector<16xf32>
      %reduce_sum3A_41 = vector.multi_reduction <add>, %select_n3A_39, %reduce_sum3A_40 [1] : vector<16x4096xf32> to vector<16xf32>
      %broadcast_in_dim3A_42 = vector.shape_cast %reduce_sum3A_41 : vector<16xf32> to vector<16x1xf32>
      %transpose3A = tpu.transpose %broadcast_in_dim3A_30, [1, 0] : vector<16x1xf32> -> vector<1x16xf32>
      %swap3A_43 = arith.index_cast %scan3A_10 : i32 to index
      %swap3A_44 = arith.constant 0 : index
      %swap3A_45 = vector.load %arg2[%swap3A_43, %swap3A_44] : memref<512x16xf32, #tpu.memory_space<vmem>>, vector<1x16xf32>
      tpu.vector_store %arg2[%swap3A_43, %swap3A_44], %transpose3A {strides = array<i32>} : memref<512x16xf32, #tpu.memory_space<vmem>>, vector<1x16xf32>,
      %transpose3A_46 = tpu.transpose %broadcast_in_dim3A_36, [1, 0] : vector<16x1xf32> -> vector<1x16xf32>
      %swap3A_47 = arith.index_cast %scan3A_10 : i32 to index
      %swap3A_48 = arith.constant 0 : index
      %swap3A_49 = vector.load %arg3[%swap3A_47, %swap3A_48] : memref<512x16xf32, #tpu.memory_space<vmem>>, vector<1x16xf32>
      tpu.vector_store %arg3[%swap3A_47, %swap3A_48], %transpose3A_46 {strides = array<i32>} : memref<512x16xf32, #tpu.memory_space<vmem>>, vector<1x16xf32>,
      %transpose3A_50 = tpu.transpose %broadcast_in_dim3A_42, [1, 0] : vector<16x1xf32> -> vector<1x16xf32>
      %swap3A_51 = arith.index_cast %scan3A_10 : i32 to index
      %swap3A_52 = arith.constant 0 : index
      %swap3A_53 = vector.load %arg4[%swap3A_51, %swap3A_52] : memref<512x16xf32, #tpu.memory_space<vmem>>, vector<1x16xf32>
      tpu.vector_store %arg4[%swap3A_51, %swap3A_52], %transpose3A_50 {strides = array<i32>} : memref<512x16xf32, #tpu.memory_space<vmem>>, vector<1x16xf32>,
      %sub3A = vector.broadcast %broadcast_in_dim3A_30 : vector<16x1xf32> to vector<16x4096xf32>
      %sub3A_54 = arith.subf %get3A_16, %sub3A : vector<16x4096xf32>
      %sub3A_55 = vector.broadcast %broadcast_in_dim3A_36 : vector<16x1xf32> to vector<16x4096xf32>
      %sub3A_56 = arith.subf %get3A_21, %sub3A_55 : vector<16x4096xf32>
      %sub3A_57 = vector.broadcast %broadcast_in_dim3A_42 : vector<16x1xf32> to vector<16x4096xf32>
      %sub3A_58 = arith.subf %get3A_26, %sub3A_57 : vector<16x4096xf32>
      %mul3A = arith.mulf %sub3A_54, %sub3A_54 : vector<16x4096xf32>
      %mul3A_59 = arith.mulf %sub3A_56, %sub3A_56 : vector<16x4096xf32>
      %add3A = arith.addf %mul3A, %mul3A_59 : vector<16x4096xf32>
      %mul3A_60 = arith.mulf %sub3A_58, %sub3A_58 : vector<16x4096xf32>
      %add3A_61 = arith.addf %add3A, %mul3A_60 : vector<16x4096xf32>
      %get3A_62 = arith.constant 0 : index
      %get3A_63 = arith.constant 0 : index
      %get3A_64 = vector.load %arg5[%get3A_62, %get3A_63] : memref<16x4096xf32, #tpu.memory_space<vmem>>, vector<16x4096xf32>
      %lt3A = arith.cmpf olt, %add3A_61, %get3A_64 : vector<16x4096xf32>
      %select_n3A_65 = arith.select %lt3A, %add3A_61, %get3A_64 : vector<16x4096xi1>, vector<16x4096xf32>
      %swap3A_66 = arith.constant 0 : index
      %swap3A_67 = arith.constant 0 : index
      %swap3A_68 = vector.load %arg5[%swap3A_66, %swap3A_67] : memref<16x4096xf32, #tpu.memory_space<vmem>>, vector<16x4096xf32>
      tpu.vector_store %arg5[%swap3A_66, %swap3A_67], %select_n3A_65 {strides = array<i32>} : memref<16x4096xf32, #tpu.memory_space<vmem>>, vector<16x4096xf32>,
      %reduce_max3A = arith.constant dense<0xFF800000> : vector<16xf32>
      %reduce_max3A_69 = vector.multi_reduction <maximumf>, %select_n3A_65, %reduce_max3A [1] : vector<16x4096xf32> to vector<16xf32>
      %broadcast_in_dim3A_70 = vector.shape_cast %reduce_max3A_69 : vector<16xf32> to vector<16x1xf32>
      %eq3A_71 = vector.broadcast %broadcast_in_dim3A_70 : vector<16x1xf32> to vector<16x4096xf32>
      %eq3A_72 = arith.cmpf oeq, %select_n3A_65, %eq3A_71 : vector<16x4096xf32>
      %jit3A_73 = arith.constant 4096 : i32
      %broadcast_in_dim3A_74 = vector.broadcast %jit3A_73 : i32 to vector<16x4096xi32>
      %select_n3A_75 = arith.select %eq3A_72, %iota3A, %broadcast_in_dim3A_74 : vector<16x4096xi1>, vector<16x4096xi32>
      %reduce_min3A = arith.constant dense<2147483647> : vector<16xi32>
      %reduce_min3A_76 = vector.multi_reduction <minsi>, %select_n3A_75, %reduce_min3A [1] : vector<16x4096xi32> to vector<16xi32>
      %broadcast_in_dim3A_77 = vector.shape_cast %reduce_min3A_76 : vector<16xi32> to vector<16x1xi32>
      scf.yield %broadcast_in_dim3A_77 : vector<16x1xi32>
    }
    %scan3A_9 = arith.constant 512 : i32
    return
  }
}

module attributes {stable_mosaic.version = 14 : i64} {
  func.func @_mask_body(%arg0: i32, %arg1: i32, %arg2: memref<1x3x4096xf32, #tpu.memory_space<vmem>>, %arg3: memref<1x128x1xf32, #tpu.memory_space<vmem>>, %arg4: memref<1x128x1xf32, #tpu.memory_space<vmem>>, %arg5: memref<1x128x1xf32, #tpu.memory_space<vmem>>, %arg6: memref<1x128x4096xi32, #tpu.memory_space<vmem>>) attributes {dimension_semantics = [#tpu.dimension_semantics<arbitrary>, #tpu.dimension_semantics<arbitrary>], iteration_bounds = array<i64: 16, 4>, scalar_prefetch = 0 : i64, scratch_operands = 0 : i64, tpu.core_type = #tpu.core_type<tc>, window_params = [{transform_indices = @transform_0, window_bounds = array<i64: 1, 3, 4096>}, {transform_indices = @transform_1, window_bounds = array<i64: 1, 128, 1>}, {transform_indices = @transform_2, window_bounds = array<i64: 1, 128, 1>}, {transform_indices = @transform_3, window_bounds = array<i64: 1, 128, 1>}, {transform_indices = @transform_4, window_bounds = array<i64: 1, 128, 4096>}]} {
    %get3A = arith.constant 0 : index
    %get3A_0 = arith.constant 0 : index
    %get3A_1 = arith.constant 0 : index
    %get3A_2 = vector.load %arg2[%get3A, %get3A_0, %get3A_1] : memref<1x3x4096xf32, #tpu.memory_space<vmem>>, vector<1x3x4096xf32>
    %get3A_3 = vector.shape_cast %get3A_2 : vector<1x3x4096xf32> to vector<3x4096xf32>
    %slice3A = vector.extract_strided_slice %get3A_3 {offsets = [0, 0], sizes = [1, 4096], strides = [1, 1]} : vector<3x4096xf32> to vector<1x4096xf32>
    %slice3A_4 = vector.extract_strided_slice %get3A_3 {offsets = [1, 0], sizes = [1, 4096], strides = [1, 1]} : vector<3x4096xf32> to vector<1x4096xf32>
    %slice3A_5 = vector.extract_strided_slice %get3A_3 {offsets = [2, 0], sizes = [1, 4096], strides = [1, 1]} : vector<3x4096xf32> to vector<1x4096xf32>
    %get3A_6 = arith.constant 0 : index
    %get3A_7 = arith.constant 0 : index
    %get3A_8 = arith.constant 0 : index
    %get3A_9 = vector.load %arg3[%get3A_6, %get3A_7, %get3A_8] : memref<1x128x1xf32, #tpu.memory_space<vmem>>, vector<1x128x1xf32>
    %get3A_10 = vector.shape_cast %get3A_9 : vector<1x128x1xf32> to vector<128x1xf32>
    %get3A_11 = arith.constant 0 : index
    %get3A_12 = arith.constant 0 : index
    %get3A_13 = arith.constant 0 : index
    %get3A_14 = vector.load %arg4[%get3A_11, %get3A_12, %get3A_13] : memref<1x128x1xf32, #tpu.memory_space<vmem>>, vector<1x128x1xf32>
    %get3A_15 = vector.shape_cast %get3A_14 : vector<1x128x1xf32> to vector<128x1xf32>
    %get3A_16 = arith.constant 0 : index
    %get3A_17 = arith.constant 0 : index
    %get3A_18 = arith.constant 0 : index
    %get3A_19 = vector.load %arg5[%get3A_16, %get3A_17, %get3A_18] : memref<1x128x1xf32, #tpu.memory_space<vmem>>, vector<1x128x1xf32>
    %get3A_20 = vector.shape_cast %get3A_19 : vector<1x128x1xf32> to vector<128x1xf32>
    %concatenate3A = tpu.concatenate %get3A_10, %get3A_15, %get3A_20 in 1 : vector<128x1xf32>, vector<128x1xf32>, vector<128x1xf32> -> vector<128x3xf32>
    %dot_general3A = arith.constant dense<0.000000e+00> : vector<128x4096xf32>
    %dot_general3A_21 = tpu.matmul %concatenate3A, %get3A_3, %dot_general3A {dimension_numbers = #tpu.dot_dimension_numbers<[1], [0], [0], [1], [0, 0, 1, 1], [], []>, transpose_lhs_hint = false} : vector<128x3xf32>, vector<3x4096xf32>, vector<128x4096xf32> -> vector<128x4096xf32>
    %mul3A = arith.constant -2.000000e+00 : f32
    %mul3A_22 = vector.broadcast %mul3A : f32 to vector<128x4096xf32>
    %mul3A_23 = arith.mulf %mul3A_22, %dot_general3A_21 : vector<128x4096xf32>
    %mul3A_24 = arith.mulf %get3A_10, %get3A_10 : vector<128x1xf32>
    %mul3A_25 = arith.mulf %get3A_15, %get3A_15 : vector<128x1xf32>
    %add3A = arith.addf %mul3A_24, %mul3A_25 : vector<128x1xf32>
    %mul3A_26 = arith.mulf %get3A_20, %get3A_20 : vector<128x1xf32>
    %add3A_27 = arith.addf %add3A, %mul3A_26 : vector<128x1xf32>
    %add3A_28 = vector.broadcast %add3A_27 : vector<128x1xf32> to vector<128x4096xf32>
    %add3A_29 = arith.addf %mul3A_23, %add3A_28 : vector<128x4096xf32>
    %mul3A_30 = arith.mulf %slice3A, %slice3A : vector<1x4096xf32>
    %mul3A_31 = arith.mulf %slice3A_4, %slice3A_4 : vector<1x4096xf32>
    %add3A_32 = arith.addf %mul3A_30, %mul3A_31 : vector<1x4096xf32>
    %mul3A_33 = arith.mulf %slice3A_5, %slice3A_5 : vector<1x4096xf32>
    %add3A_34 = arith.addf %add3A_32, %mul3A_33 : vector<1x4096xf32>
    %add3A_35 = vector.broadcast %add3A_34 : vector<1x4096xf32> to vector<128x4096xf32>
    %add3A_36 = arith.addf %add3A_29, %add3A_35 : vector<128x4096xf32>
    %le3A = arith.constant 4.000000e-02 : f32
    %le3A_37 = vector.broadcast %le3A : f32 to vector<128x4096xf32>
    %le3A_38 = arith.cmpf ole, %add3A_36, %le3A_37 : vector<128x4096xf32>
    %jit3A = arith.constant 1 : i32
    %jit3A_39 = arith.constant 0 : i32
    %broadcast_in_dim3A = vector.broadcast %jit3A : i32 to vector<128x4096xi32>
    %broadcast_in_dim3A_40 = vector.broadcast %jit3A_39 : i32 to vector<128x4096xi32>
    %select_n3A = arith.select %le3A_38, %broadcast_in_dim3A, %broadcast_in_dim3A_40 : vector<128x4096xi1>, vector<128x4096xi32>
    %iota3A = tpu.iota {dimensions = array<i32: 1>} : vector<128x4096xi32>
    %ge3A = arith.constant 1 : i32
    %ge3A_41 = vector.broadcast %ge3A : i32 to vector<128x4096xi32>
    %ge3A_42 = arith.cmpi sge, %iota3A, %ge3A_41 : vector<128x4096xi32>
    %roll3A = arith.constant 1 : i32
    %roll3A_43 = tpu.dynamic_rotate %select_n3A by %roll3A dim 1 : vector<128x4096xi32>, i32 -> vector<128x4096xi32>
    %jit3A_44 = arith.constant 0 : i32
    %broadcast_in_dim3A_45 = vector.broadcast %jit3A_44 : i32 to vector<128x4096xi32>
    %select_n3A_46 = arith.select %ge3A_42, %roll3A_43, %broadcast_in_dim3A_45 : vector<128x4096xi1>, vector<128x4096xi32>
    %add3A_47 = arith.addi %select_n3A, %select_n3A_46 : vector<128x4096xi32>
    %ge3A_48 = arith.constant 2 : i32
    %ge3A_49 = vector.broadcast %ge3A_48 : i32 to vector<128x4096xi32>
    %ge3A_50 = arith.cmpi sge, %iota3A, %ge3A_49 : vector<128x4096xi32>
    %roll3A_51 = arith.constant 2 : i32
    %roll3A_52 = tpu.dynamic_rotate %add3A_47 by %roll3A_51 dim 1 : vector<128x4096xi32>, i32 -> vector<128x4096xi32>
    %jit3A_53 = arith.constant 0 : i32
    %broadcast_in_dim3A_54 = vector.broadcast %jit3A_53 : i32 to vector<128x4096xi32>
    %select_n3A_55 = arith.select %ge3A_50, %roll3A_52, %broadcast_in_dim3A_54 : vector<128x4096xi1>, vector<128x4096xi32>
    %add3A_56 = arith.addi %add3A_47, %select_n3A_55 : vector<128x4096xi32>
    %ge3A_57 = arith.constant 4 : i32
    %ge3A_58 = vector.broadcast %ge3A_57 : i32 to vector<128x4096xi32>
    %ge3A_59 = arith.cmpi sge, %iota3A, %ge3A_58 : vector<128x4096xi32>
    %roll3A_60 = arith.constant 4 : i32
    %roll3A_61 = tpu.dynamic_rotate %add3A_56 by %roll3A_60 dim 1 : vector<128x4096xi32>, i32 -> vector<128x4096xi32>
    %jit3A_62 = arith.constant 0 : i32
    %broadcast_in_dim3A_63 = vector.broadcast %jit3A_62 : i32 to vector<128x4096xi32>
    %select_n3A_64 = arith.select %ge3A_59, %roll3A_61, %broadcast_in_dim3A_63 : vector<128x4096xi1>, vector<128x4096xi32>
    %add3A_65 = arith.addi %add3A_56, %select_n3A_64 : vector<128x4096xi32>
    %ge3A_66 = arith.constant 8 : i32
    %ge3A_67 = vector.broadcast %ge3A_66 : i32 to vector<128x4096xi32>
    %ge3A_68 = arith.cmpi sge, %iota3A, %ge3A_67 : vector<128x4096xi32>
    %roll3A_69 = arith.constant 8 : i32
    %roll3A_70 = tpu.dynamic_rotate %add3A_65 by %roll3A_69 dim 1 : vector<128x4096xi32>, i32 -> vector<128x4096xi32>
    %jit3A_71 = arith.constant 0 : i32
    %broadcast_in_dim3A_72 = vector.broadcast %jit3A_71 : i32 to vector<128x4096xi32>
    %select_n3A_73 = arith.select %ge3A_68, %roll3A_70, %broadcast_in_dim3A_72 : vector<128x4096xi1>, vector<128x4096xi32>
    %add3A_74 = arith.addi %add3A_65, %select_n3A_73 : vector<128x4096xi32>
    %ge3A_75 = arith.constant 16 : i32
    %ge3A_76 = vector.broadcast %ge3A_75 : i32 to vector<128x4096xi32>
    %ge3A_77 = arith.cmpi sge, %iota3A, %ge3A_76 : vector<128x4096xi32>
    %roll3A_78 = arith.constant 16 : i32
    %roll3A_79 = tpu.dynamic_rotate %add3A_74 by %roll3A_78 dim 1 : vector<128x4096xi32>, i32 -> vector<128x4096xi32>
    %jit3A_80 = arith.constant 0 : i32
    %broadcast_in_dim3A_81 = vector.broadcast %jit3A_80 : i32 to vector<128x4096xi32>
    %select_n3A_82 = arith.select %ge3A_77, %roll3A_79, %broadcast_in_dim3A_81 : vector<128x4096xi1>, vector<128x4096xi32>
    %add3A_83 = arith.addi %add3A_74, %select_n3A_82 : vector<128x4096xi32>
    %ge3A_84 = arith.constant 32 : i32
    %ge3A_85 = vector.broadcast %ge3A_84 : i32 to vector<128x4096xi32>
    %ge3A_86 = arith.cmpi sge, %iota3A, %ge3A_85 : vector<128x4096xi32>
    %roll3A_87 = arith.constant 32 : i32
    %roll3A_88 = tpu.dynamic_rotate %add3A_83 by %roll3A_87 dim 1 : vector<128x4096xi32>, i32 -> vector<128x4096xi32>
    %jit3A_89 = arith.constant 0 : i32
    %broadcast_in_dim3A_90 = vector.broadcast %jit3A_89 : i32 to vector<128x4096xi32>
    %select_n3A_91 = arith.select %ge3A_86, %roll3A_88, %broadcast_in_dim3A_90 : vector<128x4096xi1>, vector<128x4096xi32>
    %add3A_92 = arith.addi %add3A_83, %select_n3A_91 : vector<128x4096xi32>
    %ge3A_93 = arith.constant 64 : i32
    %ge3A_94 = vector.broadcast %ge3A_93 : i32 to vector<128x4096xi32>
    %ge3A_95 = arith.cmpi sge, %iota3A, %ge3A_94 : vector<128x4096xi32>
    %roll3A_96 = arith.constant 64 : i32
    %roll3A_97 = tpu.dynamic_rotate %add3A_92 by %roll3A_96 dim 1 : vector<128x4096xi32>, i32 -> vector<128x4096xi32>
    %jit3A_98 = arith.constant 0 : i32
    %broadcast_in_dim3A_99 = vector.broadcast %jit3A_98 : i32 to vector<128x4096xi32>
    %select_n3A_100 = arith.select %ge3A_95, %roll3A_97, %broadcast_in_dim3A_99 : vector<128x4096xi1>, vector<128x4096xi32>
    %add3A_101 = arith.addi %add3A_92, %select_n3A_100 : vector<128x4096xi32>
    %ge3A_102 = arith.constant 128 : i32
    %ge3A_103 = vector.broadcast %ge3A_102 : i32 to vector<128x4096xi32>
    %ge3A_104 = arith.cmpi sge, %iota3A, %ge3A_103 : vector<128x4096xi32>
    %roll3A_105 = arith.constant 128 : i32
    %roll3A_106 = tpu.dynamic_rotate %add3A_101 by %roll3A_105 dim 1 : vector<128x4096xi32>, i32 -> vector<128x4096xi32>
    %jit3A_107 = arith.constant 0 : i32
    %broadcast_in_dim3A_108 = vector.broadcast %jit3A_107 : i32 to vector<128x4096xi32>
    %select_n3A_109 = arith.select %ge3A_104, %roll3A_106, %broadcast_in_dim3A_108 : vector<128x4096xi1>, vector<128x4096xi32>
    %add3A_110 = arith.addi %add3A_101, %select_n3A_109 : vector<128x4096xi32>
    %ge3A_111 = arith.constant 256 : i32
    %ge3A_112 = vector.broadcast %ge3A_111 : i32 to vector<128x4096xi32>
    %ge3A_113 = arith.cmpi sge, %iota3A, %ge3A_112 : vector<128x4096xi32>
    %roll3A_114 = arith.constant 256 : i32
    %roll3A_115 = tpu.dynamic_rotate %add3A_110 by %roll3A_114 dim 1 : vector<128x4096xi32>, i32 -> vector<128x4096xi32>
    %jit3A_116 = arith.constant 0 : i32
    %broadcast_in_dim3A_117 = vector.broadcast %jit3A_116 : i32 to vector<128x4096xi32>
    %select_n3A_118 = arith.select %ge3A_113, %roll3A_115, %broadcast_in_dim3A_117 : vector<128x4096xi1>, vector<128x4096xi32>
    %add3A_119 = arith.addi %add3A_110, %select_n3A_118 : vector<128x4096xi32>
    %ge3A_120 = arith.constant 512 : i32
    %ge3A_121 = vector.broadcast %ge3A_120 : i32 to vector<128x4096xi32>
    %ge3A_122 = arith.cmpi sge, %iota3A, %ge3A_121 : vector<128x4096xi32>
    %roll3A_123 = arith.constant 512 : i32
    %roll3A_124 = tpu.dynamic_rotate %add3A_119 by %roll3A_123 dim 1 : vector<128x4096xi32>, i32 -> vector<128x4096xi32>
    %jit3A_125 = arith.constant 0 : i32
    %broadcast_in_dim3A_126 = vector.broadcast %jit3A_125 : i32 to vector<128x4096xi32>
    %select_n3A_127 = arith.select %ge3A_122, %roll3A_124, %broadcast_in_dim3A_126 : vector<128x4096xi1>, vector<128x4096xi32>
    %add3A_128 = arith.addi %add3A_119, %select_n3A_127 : vector<128x4096xi32>
    %ge3A_129 = arith.constant 1024 : i32
    %ge3A_130 = vector.broadcast %ge3A_129 : i32 to vector<128x4096xi32>
    %ge3A_131 = arith.cmpi sge, %iota3A, %ge3A_130 : vector<128x4096xi32>
    %roll3A_132 = arith.constant 1024 : i32
    %roll3A_133 = tpu.dynamic_rotate %add3A_128 by %roll3A_132 dim 1 : vector<128x4096xi32>, i32 -> vector<128x4096xi32>
    %jit3A_134 = arith.constant 0 : i32
    %broadcast_in_dim3A_135 = vector.broadcast %jit3A_134 : i32 to vector<128x4096xi32>
    %select_n3A_136 = arith.select %ge3A_131, %roll3A_133, %broadcast_in_dim3A_135 : vector<128x4096xi1>, vector<128x4096xi32>
    %add3A_137 = arith.addi %add3A_128, %select_n3A_136 : vector<128x4096xi32>
    %ge3A_138 = arith.constant 2048 : i32
    %ge3A_139 = vector.broadcast %ge3A_138 : i32 to vector<128x4096xi32>
    %ge3A_140 = arith.cmpi sge, %iota3A, %ge3A_139 : vector<128x4096xi32>
    %roll3A_141 = arith.constant 2048 : i32
    %roll3A_142 = tpu.dynamic_rotate %add3A_137 by %roll3A_141 dim 1 : vector<128x4096xi32>, i32 -> vector<128x4096xi32>
    %jit3A_143 = arith.constant 0 : i32
    %broadcast_in_dim3A_144 = vector.broadcast %jit3A_143 : i32 to vector<128x4096xi32>
    %select_n3A_145 = arith.select %ge3A_140, %roll3A_142, %broadcast_in_dim3A_144 : vector<128x4096xi1>, vector<128x4096xi32>
    %add3A_146 = arith.addi %add3A_137, %select_n3A_145 : vector<128x4096xi32>
    %swap3A = arith.constant 0 : index
    %swap3A_147 = arith.constant 0 : index
    %swap3A_148 = arith.constant 0 : index
    %swap3A_149 = vector.load %arg6[%swap3A, %swap3A_147, %swap3A_148] : memref<1x128x4096xi32, #tpu.memory_space<vmem>>, vector<1x128x4096xi32>
    %swap3A_150 = vector.shape_cast %swap3A_149 : vector<1x128x4096xi32> to vector<128x4096xi32>
    %swap3A_151 = vector.shape_cast %add3A_146 : vector<128x4096xi32> to vector<1x128x4096xi32>
    tpu.vector_store %arg6[%swap3A, %swap3A_147, %swap3A_148], %swap3A_151 {strides = array<i32>} : memref<1x128x4096xi32, #tpu.memory_space<vmem>>, vector<1x128x4096xi32>,
    return
  }
  func.func @transform_0(%arg0: i32, %arg1: i32) -> (i32, i32, i32) {
    %c0_i32 = arith.constant 0 : i32
    %c0_i32_0 = arith.constant 0 : i32
    %c0_i32_1 = arith.constant 0 : i32
    return %arg0, %c0_i32, %c0_i32_0 : i32, i32, i32
  }
  func.func @transform_1(%arg0: i32, %arg1: i32) -> (i32, i32, i32) {
    %c0_i32 = arith.constant 0 : i32
    %c0_i32_0 = arith.constant 0 : i32
    return %arg0, %arg1, %c0_i32 : i32, i32, i32
  }
  func.func @transform_2(%arg0: i32, %arg1: i32) -> (i32, i32, i32) {
    %c0_i32 = arith.constant 0 : i32
    %c0_i32_0 = arith.constant 0 : i32
    return %arg0, %arg1, %c0_i32 : i32, i32, i32
  }
  func.func @transform_3(%arg0: i32, %arg1: i32) -> (i32, i32, i32) {
    %c0_i32 = arith.constant 0 : i32
    %c0_i32_0 = arith.constant 0 : i32
    return %arg0, %arg1, %c0_i32 : i32, i32, i32
  }
  func.func @transform_4(%arg0: i32, %arg1: i32) -> (i32, i32, i32) {
    %c0_i32 = arith.constant 0 : i32
    %c0_i32_0 = arith.constant 0 : i32
    return %arg0, %arg1, %c0_i32 : i32, i32, i32
  }
}

module attributes {stable_mosaic.version = 14 : i64} {
  func.func @_q_body(%arg0: i32, %arg1: i32, %arg2: memref<1x128x512xf32, #tpu.memory_space<vmem>>, %arg3: memref<1x512x3xf32, #tpu.memory_space<vmem>>, %arg4: memref<3x128xf32, #tpu.memory_space<vmem>>, %arg5: memref<128x128xf32, #tpu.memory_space<vmem>>, %arg6: memref<1x128xf32, #tpu.memory_space<vmem>>, %arg7: memref<1x512x128xf32, #tpu.memory_space<vmem>>) attributes {dimension_semantics = [#tpu.dimension_semantics<arbitrary>, #tpu.dimension_semantics<arbitrary>], iteration_bounds = array<i64: 16, 8>, scalar_prefetch = 0 : i64, scratch_operands = 0 : i64, tpu.core_type = #tpu.core_type<tc>, window_params = [{transform_indices = @transform_0, window_bounds = array<i64: 1, 128, 512>}, {transform_indices = @transform_1, window_bounds = array<i64: 1, 512, 3>}, {pipeline_mode = #tpu.pipeline_mode<synchronous>, transform_indices = @transform_2, window_bounds = array<i64: 3, 128>}, {pipeline_mode = #tpu.pipeline_mode<synchronous>, transform_indices = @transform_3, window_bounds = array<i64: 128, 128>}, {pipeline_mode = #tpu.pipeline_mode<synchronous>, transform_indices = @transform_4, window_bounds = array<i64: 1, 128>}, {transform_indices = @transform_5, window_bounds = array<i64: 1, 512, 128>}]} {
    %get3A = arith.constant 0 : index
    %get3A_0 = arith.constant 0 : index
    %get3A_1 = arith.constant 0 : index
    %get3A_2 = vector.load %arg2[%get3A, %get3A_0, %get3A_1] : memref<1x128x512xf32, #tpu.memory_space<vmem>>, vector<1x128x512xf32>
    %get3A_3 = vector.shape_cast %get3A_2 : vector<1x128x512xf32> to vector<128x512xf32>
    %get3A_4 = arith.constant 0 : index
    %get3A_5 = arith.constant 0 : index
    %get3A_6 = arith.constant 0 : index
    %get3A_7 = vector.load %arg3[%get3A_4, %get3A_5, %get3A_6] : memref<1x512x3xf32, #tpu.memory_space<vmem>>, vector<1x512x3xf32>
    %get3A_8 = vector.shape_cast %get3A_7 : vector<1x512x3xf32> to vector<512x3xf32>
    %get3A_9 = arith.constant 0 : index
    %get3A_10 = arith.constant 0 : index
    %get3A_11 = vector.load %arg5[%get3A_9, %get3A_10] : memref<128x128xf32, #tpu.memory_space<vmem>>, vector<128x128xf32>
    %dot_general3A = arith.constant dense<0.000000e+00> : vector<512x128xf32>
    %dot_general3A_12 = tpu.matmul %get3A_3, %get3A_11, %dot_general3A {dimension_numbers = #tpu.dot_dimension_numbers<[0], [0], [1], [1], [0, 1, 1, 1], [], []>, transpose_lhs_hint = false} : vector<128x512xf32>, vector<128x128xf32>, vector<512x128xf32> -> vector<512x128xf32>
    %get3A_13 = arith.constant 0 : index
    %get3A_14 = arith.constant 0 : index
    %get3A_15 = vector.load %arg4[%get3A_13, %get3A_14] : memref<3x128xf32, #tpu.memory_space<vmem>>, vector<3x128xf32>
    %dot_general3A_16 = arith.constant dense<0.000000e+00> : vector<512x128xf32>
    %dot_general3A_17 = tpu.matmul %get3A_8, %get3A_15, %dot_general3A_16 {dimension_numbers = #tpu.dot_dimension_numbers<[1], [0], [0], [1], [0, 0, 1, 1], [], []>, transpose_lhs_hint = false} : vector<512x3xf32>, vector<3x128xf32>, vector<512x128xf32> -> vector<512x128xf32>
    %add3A = arith.addf %dot_general3A_12, %dot_general3A_17 : vector<512x128xf32>
    %get3A_18 = arith.constant 0 : index
    %get3A_19 = arith.constant 0 : index
    %get3A_20 = vector.load %arg6[%get3A_18, %get3A_19] : memref<1x128xf32, #tpu.memory_space<vmem>>, vector<1x128xf32>
    %add3A_21 = vector.broadcast %get3A_20 : vector<1x128xf32> to vector<512x128xf32>
    %add3A_22 = arith.addf %add3A, %add3A_21 : vector<512x128xf32>
    %swap3A = arith.constant 0 : index
    %swap3A_23 = arith.constant 0 : index
    %swap3A_24 = arith.constant 0 : index
    %swap3A_25 = vector.load %arg7[%swap3A, %swap3A_23, %swap3A_24] : memref<1x512x128xf32, #tpu.memory_space<vmem>>, vector<1x512x128xf32>
    %swap3A_26 = vector.shape_cast %swap3A_25 : vector<1x512x128xf32> to vector<512x128xf32>
    %swap3A_27 = vector.shape_cast %add3A_22 : vector<512x128xf32> to vector<1x512x128xf32>
    tpu.vector_store %arg7[%swap3A, %swap3A_23, %swap3A_24], %swap3A_27 {strides = array<i32>} : memref<1x512x128xf32, #tpu.memory_space<vmem>>, vector<1x512x128xf32>,
    return
  }
  func.func @transform_0(%arg0: i32, %arg1: i32) -> (i32, i32, i32) {
    %c0_i32 = arith.constant 0 : i32
    %c0_i32_0 = arith.constant 0 : i32
    return %arg0, %c0_i32, %arg1 : i32, i32, i32
  }
  func.func @transform_1(%arg0: i32, %arg1: i32) -> (i32, i32, i32) {
    %c0_i32 = arith.constant 0 : i32
    %c0_i32_0 = arith.constant 0 : i32
    return %arg0, %arg1, %c0_i32 : i32, i32, i32
  }
  func.func @transform_2(%arg0: i32, %arg1: i32) -> (i32, i32) {
    %c0_i32 = arith.constant 0 : i32
    %c0_i32_0 = arith.constant 0 : i32
    %c0_i32_1 = arith.constant 0 : i32
    return %c0_i32, %c0_i32_0 : i32, i32
  }
  func.func @transform_3(%arg0: i32, %arg1: i32) -> (i32, i32) {
    %c0_i32 = arith.constant 0 : i32
    %c0_i32_0 = arith.constant 0 : i32
    %c0_i32_1 = arith.constant 0 : i32
    return %c0_i32, %c0_i32_0 : i32, i32
  }
  func.func @transform_4(%arg0: i32, %arg1: i32) -> (i32, i32) {
    %c0_i32 = arith.constant 0 : i32
    %c0_i32_0 = arith.constant 0 : i32
    %c0_i32_1 = arith.constant 0 : i32
    return %c0_i32, %c0_i32_0 : i32, i32
  }
  func.func @transform_5(%arg0: i32, %arg1: i32) -> (i32, i32, i32) {
    %c0_i32 = arith.constant 0 : i32
    %c0_i32_0 = arith.constant 0 : i32
    return %arg0, %arg1, %c0_i32 : i32, i32, i32
  }
}

module attributes {stable_mosaic.version = 14 : i64} {
  func.func @_c_body(%arg0: i32, %arg1: memref<1x512x3xf32, #tpu.memory_space<vmem>>, %arg2: memref<3x128xf32, #tpu.memory_space<vmem>>, %arg3: memref<1x512x128xf32, #tpu.memory_space<vmem>>) attributes {dimension_semantics = [#tpu.dimension_semantics<arbitrary>], iteration_bounds = array<i64: 16>, scalar_prefetch = 0 : i64, scratch_operands = 0 : i64, tpu.core_type = #tpu.core_type<tc>, window_params = [{transform_indices = @transform_0, window_bounds = array<i64: 1, 512, 3>}, {pipeline_mode = #tpu.pipeline_mode<synchronous>, transform_indices = @transform_1, window_bounds = array<i64: 3, 128>}, {transform_indices = @transform_2, window_bounds = array<i64: 1, 512, 128>}]} {
    %get3A = arith.constant 0 : index
    %get3A_0 = arith.constant 0 : index
    %get3A_1 = arith.constant 0 : index
    %get3A_2 = vector.load %arg1[%get3A, %get3A_0, %get3A_1] : memref<1x512x3xf32, #tpu.memory_space<vmem>>, vector<1x512x3xf32>
    %get3A_3 = vector.shape_cast %get3A_2 : vector<1x512x3xf32> to vector<512x3xf32>
    %get3A_4 = arith.constant 0 : index
    %get3A_5 = arith.constant 0 : index
    %get3A_6 = vector.load %arg2[%get3A_4, %get3A_5] : memref<3x128xf32, #tpu.memory_space<vmem>>, vector<3x128xf32>
    %dot_general3A = arith.constant dense<0.000000e+00> : vector<512x128xf32>
    %dot_general3A_7 = tpu.matmul %get3A_3, %get3A_6, %dot_general3A {dimension_numbers = #tpu.dot_dimension_numbers<[1], [0], [0], [1], [0, 0, 1, 1], [], []>, transpose_lhs_hint = false} : vector<512x3xf32>, vector<3x128xf32>, vector<512x128xf32> -> vector<512x128xf32>
    %swap3A = arith.constant 0 : index
    %swap3A_8 = arith.constant 0 : index
    %swap3A_9 = arith.constant 0 : index
    %swap3A_10 = vector.load %arg3[%swap3A, %swap3A_8, %swap3A_9] : memref<1x512x128xf32, #tpu.memory_space<vmem>>, vector<1x512x128xf32>
    %swap3A_11 = vector.shape_cast %swap3A_10 : vector<1x512x128xf32> to vector<512x128xf32>
    %swap3A_12 = vector.shape_cast %dot_general3A_7 : vector<512x128xf32> to vector<1x512x128xf32>
    tpu.vector_store %arg3[%swap3A, %swap3A_8, %swap3A_9], %swap3A_12 {strides = array<i32>} : memref<1x512x128xf32, #tpu.memory_space<vmem>>, vector<1x512x128xf32>,
    return
  }
  func.func @transform_0(%arg0: i32) -> (i32, i32, i32) {
    %c0_i32 = arith.constant 0 : i32
    %c0_i32_0 = arith.constant 0 : i32
    %c0_i32_1 = arith.constant 0 : i32
    return %arg0, %c0_i32, %c0_i32_0 : i32, i32, i32
  }
  func.func @transform_1(%arg0: i32) -> (i32, i32) {
    %c0_i32 = arith.constant 0 : i32
    %c0_i32_0 = arith.constant 0 : i32
    %c0_i32_1 = arith.constant 0 : i32
    return %c0_i32, %c0_i32_0 : i32, i32
  }
  func.func @transform_2(%arg0: i32) -> (i32, i32, i32) {
    %c0_i32 = arith.constant 0 : i32
    %c0_i32_0 = arith.constant 0 : i32
    %c0_i32_1 = arith.constant 0 : i32
    return %arg0, %c0_i32, %c0_i32_0 : i32, i32, i32
  }
}

module attributes {stable_mosaic.version = 14 : i64} {
  func.func @_stats1_body(%arg0: i32, %arg1: memref<2048x128xf32, #tpu.memory_space<vmem>>, %arg2: memref<64x128xf32, #tpu.memory_space<vmem>>, %arg3: memref<8x128xf32, #tpu.memory_space<vmem>>, %arg4: memref<8x128xf32, #tpu.memory_space<vmem>>) attributes {dimension_semantics = [#tpu.dimension_semantics<arbitrary>], iteration_bounds = array<i64: 128>, scalar_prefetch = 0 : i64, scratch_operands = 0 : i64, tpu.core_type = #tpu.core_type<tc>, window_params = [{transform_indices = @transform_0, window_bounds = array<i64: 2048, 128>}, {transform_indices = @transform_1, window_bounds = array<i64: 64, 128>}, {pipeline_mode = #tpu.pipeline_mode<synchronous>, transform_indices = @transform_2, window_bounds = array<i64: 8, 128>}, {pipeline_mode = #tpu.pipeline_mode<synchronous>, transform_indices = @transform_3, window_bounds = array<i64: 8, 128>}]} {
    %eq3A = arith.constant 0 : i32
    %eq3A_0 = arith.cmpi eq, %arg0, %eq3A : i32
    %convert_element_type3A = arith.extui %eq3A_0 : i1 to i32
    %cond3A = arith.constant 0 : i32
    %cond3A_1 = arith.cmpi ne, %convert_element_type3A, %cond3A : i32
    scf.if %cond3A_1 {
      %broadcast_in_dim3A_25 = arith.constant 0.000000e+00 : f32
      %broadcast_in_dim3A_26 = vector.broadcast %broadcast_in_dim3A_25 : f32 to vector<8x128xf32>
      %swap3A_27 = arith.constant 0 : index
      %swap3A_28 = arith.constant 0 : index
      %swap3A_29 = vector.load %arg3[%swap3A_27, %swap3A_28] : memref<8x128xf32, #tpu.memory_space<vmem>>, vector<8x128xf32>
      tpu.vector_store %arg3[%swap3A_27, %swap3A_28], %broadcast_in_dim3A_26 {strides = array<i32>} : memref<8x128xf32, #tpu.memory_space<vmem>>, vector<8x128xf32>,
      %broadcast_in_dim3A_30 = arith.constant 0.000000e+00 : f32
      %broadcast_in_dim3A_31 = vector.broadcast %broadcast_in_dim3A_30 : f32 to vector<8x128xf32>
      %swap3A_32 = arith.constant 0 : index
      %swap3A_33 = arith.constant 0 : index
      %swap3A_34 = vector.load %arg4[%swap3A_32, %swap3A_33] : memref<8x128xf32, #tpu.memory_space<vmem>>, vector<8x128xf32>
      tpu.vector_store %arg4[%swap3A_32, %swap3A_33], %broadcast_in_dim3A_31 {strides = array<i32>} : memref<8x128xf32, #tpu.memory_space<vmem>>, vector<8x128xf32>,
    } else {
    }
    %get3A = arith.constant 0 : index
    %get3A_2 = arith.constant 0 : index
    %get3A_3 = vector.load %arg1[%get3A, %get3A_2] : memref<2048x128xf32, #tpu.memory_space<vmem>>, vector<2048x128xf32>
    %reshape3A = vector.shape_cast %get3A_3 : vector<2048x128xf32> to vector<64x32x128xf32>
    %get3A_4 = arith.constant 0 : index
    %get3A_5 = arith.constant 0 : index
    %get3A_6 = vector.load %arg2[%get3A_4, %get3A_5] : memref<64x128xf32, #tpu.memory_space<vmem>>, vector<64x128xf32>
    %broadcast_in_dim3A = vector.shape_cast %get3A_6 : vector<64x128xf32> to vector<64x1x128xf32>
    %sub3A = vector.broadcast %broadcast_in_dim3A : vector<64x1x128xf32> to vector<64x32x128xf32>
    %sub3A_7 = arith.subf %reshape3A, %sub3A : vector<64x32x128xf32>
    %get3A_8 = arith.constant 0 : index
    %get3A_9 = arith.constant 0 : index
    %get3A_10 = vector.load %arg3[%get3A_8, %get3A_9] : memref<8x128xf32, #tpu.memory_space<vmem>>, vector<1x128xf32>
    %reduce_sum3A = arith.constant dense<0.000000e+00> : vector<128xf32>
    %reduce_sum3A_11 = vector.multi_reduction <add>, %sub3A_7, %reduce_sum3A [0, 1] : vector<64x32x128xf32> to vector<128xf32>
    %reshape3A_12 = vector.shape_cast %reduce_sum3A_11 : vector<128xf32> to vector<1x128xf32>
    %add3A = arith.addf %get3A_10, %reshape3A_12 : vector<1x128xf32>
    %swap3A = arith.constant 0 : index
    %swap3A_13 = arith.constant 0 : index
    %swap3A_14 = vector.load %arg3[%swap3A, %swap3A_13] : memref<8x128xf32, #tpu.memory_space<vmem>>, vector<1x128xf32>
    tpu.vector_store %arg3[%swap3A, %swap3A_13], %add3A {strides = array<i32>} : memref<8x128xf32, #tpu.memory_space<vmem>>, vector<1x128xf32>,
    %get3A_15 = arith.constant 0 : index
    %get3A_16 = arith.constant 0 : index
    %get3A_17 = vector.load %arg4[%get3A_15, %get3A_16] : memref<8x128xf32, #tpu.memory_space<vmem>>, vector<1x128xf32>
    %mul3A = arith.mulf %sub3A_7, %sub3A_7 : vector<64x32x128xf32>
    %reduce_sum3A_18 = arith.constant dense<0.000000e+00> : vector<128xf32>
    %reduce_sum3A_19 = vector.multi_reduction <add>, %mul3A, %reduce_sum3A_18 [0, 1] : vector<64x32x128xf32> to vector<128xf32>
    %reshape3A_20 = vector.shape_cast %reduce_sum3A_19 : vector<128xf32> to vector<1x128xf32>
    %add3A_21 = arith.addf %get3A_17, %reshape3A_20 : vector<1x128xf32>
    %swap3A_22 = arith.constant 0 : index
    %swap3A_23 = arith.constant 0 : index
    %swap3A_24 = vector.load %arg4[%swap3A_22, %swap3A_23] : memref<8x128xf32, #tpu.memory_space<vmem>>, vector<1x128xf32>
    tpu.vector_store %arg4[%swap3A_22, %swap3A_23], %add3A_21 {strides = array<i32>} : memref<8x128xf32, #tpu.memory_space<vmem>>, vector<1x128xf32>,
    return
  }
  func.func @transform_0(%arg0: i32) -> (i32, i32) {
    %c0_i32 = arith.constant 0 : i32
    %c0_i32_0 = arith.constant 0 : i32
    return %arg0, %c0_i32 : i32, i32
  }
  func.func @transform_1(%arg0: i32) -> (i32, i32) {
    %c0_i32 = arith.constant 0 : i32
    %c0_i32_0 = arith.constant 0 : i32
    return %arg0, %c0_i32 : i32, i32
  }
  func.func @transform_2(%arg0: i32) -> (i32, i32) {
    %c0_i32 = arith.constant 0 : i32
    %c0_i32_0 = arith.constant 0 : i32
    %c0_i32_1 = arith.constant 0 : i32
    return %c0_i32, %c0_i32_0 : i32, i32
  }
  func.func @transform_3(%arg0: i32) -> (i32, i32) {
    %c0_i32 = arith.constant 0 : i32
    %c0_i32_0 = arith.constant 0 : i32
    %c0_i32_1 = arith.constant 0 : i32
    return %c0_i32, %c0_i32_0 : i32, i32
  }
}

module attributes {stable_mosaic.version = 14 : i64} {
  func.func @_layer_body(%arg0: i32, %arg1: memref<2048x128xf32, #tpu.memory_space<vmem>>, %arg2: memref<64x128xf32, #tpu.memory_space<vmem>>, %arg3: memref<1x128xf32, #tpu.memory_space<vmem>>, %arg4: memref<1x128xf32, #tpu.memory_space<vmem>>, %arg5: memref<128x256xf32, #tpu.memory_space<vmem>>, %arg6: memref<1x256xf32, #tpu.memory_space<vmem>>, %arg7: memref<2048x256xf32, #tpu.memory_space<vmem>>, %arg8: memref<8x256xf32, #tpu.memory_space<vmem>>, %arg9: memref<8x256xf32, #tpu.memory_space<vmem>>) attributes {dimension_semantics = [#tpu.dimension_semantics<arbitrary>], iteration_bounds = array<i64: 128>, scalar_prefetch = 0 : i64, scratch_operands = 0 : i64, tpu.core_type = #tpu.core_type<tc>, window_params = [{transform_indices = @transform_0, window_bounds = array<i64: 2048, 128>}, {transform_indices = @transform_1, window_bounds = array<i64: 64, 128>}, {pipeline_mode = #tpu.pipeline_mode<synchronous>, transform_indices = @transform_2, window_bounds = array<i64: 1, 128>}, {pipeline_mode = #tpu.pipeline_mode<synchronous>, transform_indices = @transform_3, window_bounds = array<i64: 1, 128>}, {pipeline_mode = #tpu.pipeline_mode<synchronous>, transform_indices = @transform_4, window_bounds = array<i64: 128, 256>}, {pipeline_mode = #tpu.pipeline_mode<synchronous>, transform_indices = @transform_5, window_bounds = array<i64: 1, 256>}, {transform_indices = @transform_6, window_bounds = array<i64: 2048, 256>}, {pipeline_mode = #tpu.pipeline_mode<synchronous>, transform_indices = @transform_7, window_bounds = array<i64: 8, 256>}, {pipeline_mode = #tpu.pipeline_mode<synchronous>, transform_indices = @transform_8, window_bounds = array<i64: 8, 256>}]} {
    %eq3A = arith.constant 0 : i32
    %eq3A_0 = arith.cmpi eq, %arg0, %eq3A : i32
    %convert_element_type3A = arith.extui %eq3A_0 : i1 to i32
    %cond3A = arith.constant 0 : i32
    %cond3A_1 = arith.cmpi ne, %convert_element_type3A, %cond3A : i32
    scf.if %cond3A_1 {
      %broadcast_in_dim3A_50 = arith.constant 0.000000e+00 : f32
      %broadcast_in_dim3A_51 = vector.broadcast %broadcast_in_dim3A_50 : f32 to vector<8x256xf32>
      %swap3A_52 = arith.constant 0 : index
      %swap3A_53 = arith.constant 0 : index
      %swap3A_54 = vector.load %arg8[%swap3A_52, %swap3A_53] : memref<8x256xf32, #tpu.memory_space<vmem>>, vector<8x256xf32>
      tpu.vector_store %arg8[%swap3A_52, %swap3A_53], %broadcast_in_dim3A_51 {strides = array<i32>} : memref<8x256xf32, #tpu.memory_space<vmem>>, vector<8x256xf32>,
      %broadcast_in_dim3A_55 = arith.constant 0.000000e+00 : f32
      %broadcast_in_dim3A_56 = vector.broadcast %broadcast_in_dim3A_55 : f32 to vector<8x256xf32>
      %swap3A_57 = arith.constant 0 : index
      %swap3A_58 = arith.constant 0 : index
      %swap3A_59 = vector.load %arg9[%swap3A_57, %swap3A_58] : memref<8x256xf32, #tpu.memory_space<vmem>>, vector<8x256xf32>
      tpu.vector_store %arg9[%swap3A_57, %swap3A_58], %broadcast_in_dim3A_56 {strides = array<i32>} : memref<8x256xf32, #tpu.memory_space<vmem>>, vector<8x256xf32>,
    } else {
    }
    %get3A = arith.constant 0 : index
    %get3A_2 = arith.constant 0 : index
    %get3A_3 = vector.load %arg1[%get3A, %get3A_2] : memref<2048x128xf32, #tpu.memory_space<vmem>>, vector<2048x128xf32>
    %reshape3A = vector.shape_cast %get3A_3 : vector<2048x128xf32> to vector<64x32x128xf32>
    %get3A_4 = arith.constant 0 : index
    %get3A_5 = arith.constant 0 : index
    %get3A_6 = vector.load %arg2[%get3A_4, %get3A_5] : memref<64x128xf32, #tpu.memory_space<vmem>>, vector<64x128xf32>
    %broadcast_in_dim3A = vector.shape_cast %get3A_6 : vector<64x128xf32> to vector<64x1x128xf32>
    %sub3A = vector.broadcast %broadcast_in_dim3A : vector<64x1x128xf32> to vector<64x32x128xf32>
    %sub3A_7 = arith.subf %reshape3A, %sub3A : vector<64x32x128xf32>
    %reshape3A_8 = vector.shape_cast %sub3A_7 : vector<64x32x128xf32> to vector<2048x128xf32>
    %get3A_9 = arith.constant 0 : index
    %get3A_10 = arith.constant 0 : index
    %get3A_11 = vector.load %arg3[%get3A_9, %get3A_10] : memref<1x128xf32, #tpu.memory_space<vmem>>, vector<1x128xf32>
    %mul3A = vector.broadcast %get3A_11 : vector<1x128xf32> to vector<2048x128xf32>
    %mul3A_12 = arith.mulf %reshape3A_8, %mul3A : vector<2048x128xf32>
    %get3A_13 = arith.constant 0 : index
    %get3A_14 = arith.constant 0 : index
    %get3A_15 = vector.load %arg4[%get3A_13, %get3A_14] : memref<1x128xf32, #tpu.memory_space<vmem>>, vector<1x128xf32>
    %add3A = vector.broadcast %get3A_15 : vector<1x128xf32> to vector<2048x128xf32>
    %add3A_16 = arith.addf %mul3A_12, %add3A : vector<2048x128xf32>
    %max3A = arith.constant 0.000000e+00 : f32
    %max3A_17 = vector.broadcast %max3A : f32 to vector<2048x128xf32>
    %max3A_18 = arith.maximumf %add3A_16, %max3A_17 : vector<2048x128xf32>
    %get3A_19 = arith.constant 0 : index
    %get3A_20 = arith.constant 0 : index
    %get3A_21 = vector.load %arg5[%get3A_19, %get3A_20] : memref<128x256xf32, #tpu.memory_space<vmem>>, vector<128x256xf32>
    %dot_general3A = arith.constant dense<0.000000e+00> : vector<2048x256xf32>
    %dot_general3A_22 = tpu.matmul %max3A_18, %get3A_21, %dot_general3A {dimension_numbers = #tpu.dot_dimension_numbers<[1], [0], [0], [1], [0, 0, 1, 1], [], []>, transpose_lhs_hint = false} : vector<2048x128xf32>, vector<128x256xf32>, vector<2048x256xf32> -> vector<2048x256xf32>
    %get3A_23 = arith.constant 0 : index
    %get3A_24 = arith.constant 0 : index
    %get3A_25 = vector.load %arg6[%get3A_23, %get3A_24] : memref<1x256xf32, #tpu.memory_space<vmem>>, vector<1x256xf32>
    %add3A_26 = vector.broadcast %get3A_25 : vector<1x256xf32> to vector<2048x256xf32>
    %add3A_27 = arith.addf %dot_general3A_22, %add3A_26 : vector<2048x256xf32>
    %swap3A = arith.constant 0 : index
    %swap3A_28 = arith.constant 0 : index
    %swap3A_29 = vector.load %arg7[%swap3A, %swap3A_28] : memref<2048x256xf32, #tpu.memory_space<vmem>>, vector<2048x256xf32>
    tpu.vector_store %arg7[%swap3A, %swap3A_28], %add3A_27 {strides = array<i32>} : memref<2048x256xf32, #tpu.memory_space<vmem>>, vector<2048x256xf32>,
    %get3A_30 = arith.constant 0 : index
    %get3A_31 = arith.constant 0 : index
    %get3A_32 = vector.load %arg8[%get3A_30, %get3A_31] : memref<8x256xf32, #tpu.memory_space<vmem>>, vector<1x256xf32>
    %reduce_sum3A = arith.constant dense<0.000000e+00> : vector<256xf32>
    %reduce_sum3A_33 = vector.multi_reduction <add>, %add3A_27, %reduce_sum3A [0] : vector<2048x256xf32> to vector<256xf32>
    %reshape3A_34 = vector.shape_cast %reduce_sum3A_33 : vector<256xf32> to vector<1x256xf32>
    %add3A_35 = arith.addf %get3A_32, %reshape3A_34 : vector<1x256xf32>
    %swap3A_36 = arith.constant 0 : index
    %swap3A_37 = arith.constant 0 : index
    %swap3A_38 = vector.load %arg8[%swap3A_36, %swap3A_37] : memref<8x256xf32, #tpu.memory_space<vmem>>, vector<1x256xf32>
    tpu.vector_store %arg8[%swap3A_36, %swap3A_37], %add3A_35 {strides = array<i32>} : memref<8x256xf32, #tpu.memory_space<vmem>>, vector<1x256xf32>,
    %get3A_39 = arith.constant 0 : index
    %get3A_40 = arith.constant 0 : index
    %get3A_41 = vector.load %arg9[%get3A_39, %get3A_40] : memref<8x256xf32, #tpu.memory_space<vmem>>, vector<1x256xf32>
    %mul3A_42 = arith.mulf %add3A_27, %add3A_27 : vector<2048x256xf32>
    %reduce_sum3A_43 = arith.constant dense<0.000000e+00> : vector<256xf32>
    %reduce_sum3A_44 = vector.multi_reduction <add>, %mul3A_42, %reduce_sum3A_43 [0] : vector<2048x256xf32> to vector<256xf32>
    %reshape3A_45 = vector.shape_cast %reduce_sum3A_44 : vector<256xf32> to vector<1x256xf32>
    %add3A_46 = arith.addf %get3A_41, %reshape3A_45 : vector<1x256xf32>
    %swap3A_47 = arith.constant 0 : index
    %swap3A_48 = arith.constant 0 : index
    %swap3A_49 = vector.load %arg9[%swap3A_47, %swap3A_48] : memref<8x256xf32, #tpu.memory_space<vmem>>, vector<1x256xf32>
    tpu.vector_store %arg9[%swap3A_47, %swap3A_48], %add3A_46 {strides = array<i32>} : memref<8x256xf32, #tpu.memory_space<vmem>>, vector<1x256xf32>,
    return
  }
  func.func @transform_0(%arg0: i32) -> (i32, i32) {
    %c0_i32 = arith.constant 0 : i32
    %c0_i32_0 = arith.constant 0 : i32
    return %arg0, %c0_i32 : i32, i32
  }
  func.func @transform_1(%arg0: i32) -> (i32, i32) {
    %c0_i32 = arith.constant 0 : i32
    %c0_i32_0 = arith.constant 0 : i32
    return %arg0, %c0_i32 : i32, i32
  }
  func.func @transform_2(%arg0: i32) -> (i32, i32) {
    %c0_i32 = arith.constant 0 : i32
    %c0_i32_0 = arith.constant 0 : i32
    %c0_i32_1 = arith.constant 0 : i32
    return %c0_i32, %c0_i32_0 : i32, i32
  }
  func.func @transform_3(%arg0: i32) -> (i32, i32) {
    %c0_i32 = arith.constant 0 : i32
    %c0_i32_0 = arith.constant 0 : i32
    %c0_i32_1 = arith.constant 0 : i32
    return %c0_i32, %c0_i32_0 : i32, i32
  }
  func.func @transform_4(%arg0: i32) -> (i32, i32) {
    %c0_i32 = arith.constant 0 : i32
    %c0_i32_0 = arith.constant 0 : i32
    %c0_i32_1 = arith.constant 0 : i32
    return %c0_i32, %c0_i32_0 : i32, i32
  }
  func.func @transform_5(%arg0: i32) -> (i32, i32) {
    %c0_i32 = arith.constant 0 : i32
    %c0_i32_0 = arith.constant 0 : i32
    %c0_i32_1 = arith.constant 0 : i32
    return %c0_i32, %c0_i32_0 : i32, i32
  }
  func.func @transform_6(%arg0: i32) -> (i32, i32) {
    %c0_i32 = arith.constant 0 : i32
    %c0_i32_0 = arith.constant 0 : i32
    return %arg0, %c0_i32 : i32, i32
  }
  func.func @transform_7(%arg0: i32) -> (i32, i32) {
    %c0_i32 = arith.constant 0 : i32
    %c0_i32_0 = arith.constant 0 : i32
    %c0_i32_1 = arith.constant 0 : i32
    return %c0_i32, %c0_i32_0 : i32, i32
  }
  func.func @transform_8(%arg0: i32) -> (i32, i32) {
    %c0_i32 = arith.constant 0 : i32
    %c0_i32_0 = arith.constant 0 : i32
    %c0_i32_1 = arith.constant 0 : i32
    return %c0_i32, %c0_i32_0 : i32, i32
  }
}

module attributes {stable_mosaic.version = 14 : i64} {
  func.func @_layer_body(%arg0: i32, %arg1: memref<2048x256xf32, #tpu.memory_space<vmem>>, %arg2: memref<64x256xf32, #tpu.memory_space<vmem>>, %arg3: memref<1x256xf32, #tpu.memory_space<vmem>>, %arg4: memref<1x256xf32, #tpu.memory_space<vmem>>, %arg5: memref<256x512xf32, #tpu.memory_space<vmem>>, %arg6: memref<1x512xf32, #tpu.memory_space<vmem>>, %arg7: memref<2048x512xf32, #tpu.memory_space<vmem>>, %arg8: memref<8x512xf32, #tpu.memory_space<vmem>>, %arg9: memref<8x512xf32, #tpu.memory_space<vmem>>) attributes {dimension_semantics = [#tpu.dimension_semantics<arbitrary>], iteration_bounds = array<i64: 128>, scalar_prefetch = 0 : i64, scratch_operands = 0 : i64, tpu.core_type = #tpu.core_type<tc>, window_params = [{transform_indices = @transform_0, window_bounds = array<i64: 2048, 256>}, {transform_indices = @transform_1, window_bounds = array<i64: 64, 256>}, {pipeline_mode = #tpu.pipeline_mode<synchronous>, transform_indices = @transform_2, window_bounds = array<i64: 1, 256>}, {pipeline_mode = #tpu.pipeline_mode<synchronous>, transform_indices = @transform_3, window_bounds = array<i64: 1, 256>}, {pipeline_mode = #tpu.pipeline_mode<synchronous>, transform_indices = @transform_4, window_bounds = array<i64: 256, 512>}, {pipeline_mode = #tpu.pipeline_mode<synchronous>, transform_indices = @transform_5, window_bounds = array<i64: 1, 512>}, {transform_indices = @transform_6, window_bounds = array<i64: 2048, 512>}, {pipeline_mode = #tpu.pipeline_mode<synchronous>, transform_indices = @transform_7, window_bounds = array<i64: 8, 512>}, {pipeline_mode = #tpu.pipeline_mode<synchronous>, transform_indices = @transform_8, window_bounds = array<i64: 8, 512>}]} {
    %eq3A = arith.constant 0 : i32
    %eq3A_0 = arith.cmpi eq, %arg0, %eq3A : i32
    %convert_element_type3A = arith.extui %eq3A_0 : i1 to i32
    %cond3A = arith.constant 0 : i32
    %cond3A_1 = arith.cmpi ne, %convert_element_type3A, %cond3A : i32
    scf.if %cond3A_1 {
      %broadcast_in_dim3A = arith.constant 0.000000e+00 : f32
      %broadcast_in_dim3A_44 = vector.broadcast %broadcast_in_dim3A : f32 to vector<8x512xf32>
      %swap3A_45 = arith.constant 0 : index
      %swap3A_46 = arith.constant 0 : index
      %swap3A_47 = vector.load %arg8[%swap3A_45, %swap3A_46] : memref<8x512xf32, #tpu.memory_space<vmem>>, vector<8x512xf32>
      tpu.vector_store %arg8[%swap3A_45, %swap3A_46], %broadcast_in_dim3A_44 {strides = array<i32>} : memref<8x512xf32, #tpu.memory_space<vmem>>, vector<8x512xf32>,
      %broadcast_in_dim3A_48 = arith.constant 0.000000e+00 : f32
      %broadcast_in_dim3A_49 = vector.broadcast %broadcast_in_dim3A_48 : f32 to vector<8x512xf32>
      %swap3A_50 = arith.constant 0 : index
      %swap3A_51 = arith.constant 0 : index
      %swap3A_52 = vector.load %arg9[%swap3A_50, %swap3A_51] : memref<8x512xf32, #tpu.memory_space<vmem>>, vector<8x512xf32>
      tpu.vector_store %arg9[%swap3A_50, %swap3A_51], %broadcast_in_dim3A_49 {strides = array<i32>} : memref<8x512xf32, #tpu.memory_space<vmem>>, vector<8x512xf32>,
    } else {
    }
    %get3A = arith.constant 0 : index
    %get3A_2 = arith.constant 0 : index
    %get3A_3 = vector.load %arg1[%get3A, %get3A_2] : memref<2048x256xf32, #tpu.memory_space<vmem>>, vector<2048x256xf32>
    %get3A_4 = arith.constant 0 : index
    %get3A_5 = arith.constant 0 : index
    %get3A_6 = vector.load %arg3[%get3A_4, %get3A_5] : memref<1x256xf32, #tpu.memory_space<vmem>>, vector<1x256xf32>
    %mul3A = vector.broadcast %get3A_6 : vector<1x256xf32> to vector<2048x256xf32>
    %mul3A_7 = arith.mulf %get3A_3, %mul3A : vector<2048x256xf32>
    %get3A_8 = arith.constant 0 : index
    %get3A_9 = arith.constant 0 : index
    %get3A_10 = vector.load %arg4[%get3A_8, %get3A_9] : memref<1x256xf32, #tpu.memory_space<vmem>>, vector<1x256xf32>
    %add3A = vector.broadcast %get3A_10 : vector<1x256xf32> to vector<2048x256xf32>
    %add3A_11 = arith.addf %mul3A_7, %add3A : vector<2048x256xf32>
    %max3A = arith.constant 0.000000e+00 : f32
    %max3A_12 = vector.broadcast %max3A : f32 to vector<2048x256xf32>
    %max3A_13 = arith.maximumf %add3A_11, %max3A_12 : vector<2048x256xf32>
    %get3A_14 = arith.constant 0 : index
    %get3A_15 = arith.constant 0 : index
    %get3A_16 = vector.load %arg5[%get3A_14, %get3A_15] : memref<256x512xf32, #tpu.memory_space<vmem>>, vector<256x512xf32>
    %dot_general3A = arith.constant dense<0.000000e+00> : vector<2048x512xf32>
    %dot_general3A_17 = tpu.matmul %max3A_13, %get3A_16, %dot_general3A {dimension_numbers = #tpu.dot_dimension_numbers<[1], [0], [0], [1], [0, 0, 1, 1], [], []>, transpose_lhs_hint = false} : vector<2048x256xf32>, vector<256x512xf32>, vector<2048x512xf32> -> vector<2048x512xf32>
    %get3A_18 = arith.constant 0 : index
    %get3A_19 = arith.constant 0 : index
    %get3A_20 = vector.load %arg6[%get3A_18, %get3A_19] : memref<1x512xf32, #tpu.memory_space<vmem>>, vector<1x512xf32>
    %add3A_21 = vector.broadcast %get3A_20 : vector<1x512xf32> to vector<2048x512xf32>
    %add3A_22 = arith.addf %dot_general3A_17, %add3A_21 : vector<2048x512xf32>
    %swap3A = arith.constant 0 : index
    %swap3A_23 = arith.constant 0 : index
    %swap3A_24 = vector.load %arg7[%swap3A, %swap3A_23] : memref<2048x512xf32, #tpu.memory_space<vmem>>, vector<2048x512xf32>
    tpu.vector_store %arg7[%swap3A, %swap3A_23], %add3A_22 {strides = array<i32>} : memref<2048x512xf32, #tpu.memory_space<vmem>>, vector<2048x512xf32>,
    %get3A_25 = arith.constant 0 : index
    %get3A_26 = arith.constant 0 : index
    %get3A_27 = vector.load %arg8[%get3A_25, %get3A_26] : memref<8x512xf32, #tpu.memory_space<vmem>>, vector<1x512xf32>
    %reduce_sum3A = arith.constant dense<0.000000e+00> : vector<512xf32>
    %reduce_sum3A_28 = vector.multi_reduction <add>, %add3A_22, %reduce_sum3A [0] : vector<2048x512xf32> to vector<512xf32>
    %reshape3A = vector.shape_cast %reduce_sum3A_28 : vector<512xf32> to vector<1x512xf32>
    %add3A_29 = arith.addf %get3A_27, %reshape3A : vector<1x512xf32>
    %swap3A_30 = arith.constant 0 : index
    %swap3A_31 = arith.constant 0 : index
    %swap3A_32 = vector.load %arg8[%swap3A_30, %swap3A_31] : memref<8x512xf32, #tpu.memory_space<vmem>>, vector<1x512xf32>
    tpu.vector_store %arg8[%swap3A_30, %swap3A_31], %add3A_29 {strides = array<i32>} : memref<8x512xf32, #tpu.memory_space<vmem>>, vector<1x512xf32>,
    %get3A_33 = arith.constant 0 : index
    %get3A_34 = arith.constant 0 : index
    %get3A_35 = vector.load %arg9[%get3A_33, %get3A_34] : memref<8x512xf32, #tpu.memory_space<vmem>>, vector<1x512xf32>
    %mul3A_36 = arith.mulf %add3A_22, %add3A_22 : vector<2048x512xf32>
    %reduce_sum3A_37 = arith.constant dense<0.000000e+00> : vector<512xf32>
    %reduce_sum3A_38 = vector.multi_reduction <add>, %mul3A_36, %reduce_sum3A_37 [0] : vector<2048x512xf32> to vector<512xf32>
    %reshape3A_39 = vector.shape_cast %reduce_sum3A_38 : vector<512xf32> to vector<1x512xf32>
    %add3A_40 = arith.addf %get3A_35, %reshape3A_39 : vector<1x512xf32>
    %swap3A_41 = arith.constant 0 : index
    %swap3A_42 = arith.constant 0 : index
    %swap3A_43 = vector.load %arg9[%swap3A_41, %swap3A_42] : memref<8x512xf32, #tpu.memory_space<vmem>>, vector<1x512xf32>
    tpu.vector_store %arg9[%swap3A_41, %swap3A_42], %add3A_40 {strides = array<i32>} : memref<8x512xf32, #tpu.memory_space<vmem>>, vector<1x512xf32>,
    return
  }
  func.func @transform_0(%arg0: i32) -> (i32, i32) {
    %c0_i32 = arith.constant 0 : i32
    %c0_i32_0 = arith.constant 0 : i32
    return %arg0, %c0_i32 : i32, i32
  }
  func.func @transform_1(%arg0: i32) -> (i32, i32) {
    %c0_i32 = arith.constant 0 : i32
    %c0_i32_0 = arith.constant 0 : i32
    return %arg0, %c0_i32 : i32, i32
  }
  func.func @transform_2(%arg0: i32) -> (i32, i32) {
    %c0_i32 = arith.constant 0 : i32
    %c0_i32_0 = arith.constant 0 : i32
    %c0_i32_1 = arith.constant 0 : i32
    return %c0_i32, %c0_i32_0 : i32, i32
  }
  func.func @transform_3(%arg0: i32) -> (i32, i32) {
    %c0_i32 = arith.constant 0 : i32
    %c0_i32_0 = arith.constant 0 : i32
    %c0_i32_1 = arith.constant 0 : i32
    return %c0_i32, %c0_i32_0 : i32, i32
  }
  func.func @transform_4(%arg0: i32) -> (i32, i32) {
    %c0_i32 = arith.constant 0 : i32
    %c0_i32_0 = arith.constant 0 : i32
    %c0_i32_1 = arith.constant 0 : i32
    return %c0_i32, %c0_i32_0 : i32, i32
  }
  func.func @transform_5(%arg0: i32) -> (i32, i32) {
    %c0_i32 = arith.constant 0 : i32
    %c0_i32_0 = arith.constant 0 : i32
    %c0_i32_1 = arith.constant 0 : i32
    return %c0_i32, %c0_i32_0 : i32, i32
  }
  func.func @transform_6(%arg0: i32) -> (i32, i32) {
    %c0_i32 = arith.constant 0 : i32
    %c0_i32_0 = arith.constant 0 : i32
    return %arg0, %c0_i32 : i32, i32
  }
  func.func @transform_7(%arg0: i32) -> (i32, i32) {
    %c0_i32 = arith.constant 0 : i32
    %c0_i32_0 = arith.constant 0 : i32
    %c0_i32_1 = arith.constant 0 : i32
    return %c0_i32, %c0_i32_0 : i32, i32
  }
  func.func @transform_8(%arg0: i32) -> (i32, i32) {
    %c0_i32 = arith.constant 0 : i32
    %c0_i32_0 = arith.constant 0 : i32
    %c0_i32_1 = arith.constant 0 : i32
    return %c0_i32, %c0_i32_0 : i32, i32
  }
}

module attributes {stable_mosaic.version = 14 : i64} {
  func.func @_pool_body(%arg0: i32, %arg1: memref<2048x512xf32, #tpu.memory_space<vmem>>, %arg2: memref<1x512xf32, #tpu.memory_space<vmem>>, %arg3: memref<1x512xf32, #tpu.memory_space<vmem>>, %arg4: memref<64x512xf32, #tpu.memory_space<vmem>>) attributes {dimension_semantics = [#tpu.dimension_semantics<arbitrary>], iteration_bounds = array<i64: 128>, scalar_prefetch = 0 : i64, scratch_operands = 0 : i64, tpu.core_type = #tpu.core_type<tc>, window_params = [{transform_indices = @transform_0, window_bounds = array<i64: 2048, 512>}, {pipeline_mode = #tpu.pipeline_mode<synchronous>, transform_indices = @transform_1, window_bounds = array<i64: 1, 512>}, {pipeline_mode = #tpu.pipeline_mode<synchronous>, transform_indices = @transform_2, window_bounds = array<i64: 1, 512>}, {transform_indices = @transform_3, window_bounds = array<i64: 64, 512>}]} {
    %get3A = arith.constant 0 : index
    %get3A_0 = arith.constant 0 : index
    %get3A_1 = vector.load %arg1[%get3A, %get3A_0] : memref<2048x512xf32, #tpu.memory_space<vmem>>, vector<2048x512xf32>
    %get3A_2 = arith.constant 0 : index
    %get3A_3 = arith.constant 0 : index
    %get3A_4 = vector.load %arg2[%get3A_2, %get3A_3] : memref<1x512xf32, #tpu.memory_space<vmem>>, vector<1x512xf32>
    %mul3A = vector.broadcast %get3A_4 : vector<1x512xf32> to vector<2048x512xf32>
    %mul3A_5 = arith.mulf %get3A_1, %mul3A : vector<2048x512xf32>
    %get3A_6 = arith.constant 0 : index
    %get3A_7 = arith.constant 0 : index
    %get3A_8 = vector.load %arg3[%get3A_6, %get3A_7] : memref<1x512xf32, #tpu.memory_space<vmem>>, vector<1x512xf32>
    %add3A = vector.broadcast %get3A_8 : vector<1x512xf32> to vector<2048x512xf32>
    %add3A_9 = arith.addf %mul3A_5, %add3A : vector<2048x512xf32>
    %max3A = arith.constant 0.000000e+00 : f32
    %max3A_10 = vector.broadcast %max3A : f32 to vector<2048x512xf32>
    %max3A_11 = arith.maximumf %add3A_9, %max3A_10 : vector<2048x512xf32>
    %reshape3A = vector.shape_cast %max3A_11 : vector<2048x512xf32> to vector<64x32x512xf32>
    %reduce_max3A = arith.constant dense<0xFF800000> : vector<64x512xf32>
    %reduce_max3A_12 = vector.multi_reduction <maximumf>, %reshape3A, %reduce_max3A [1] : vector<64x32x512xf32> to vector<64x512xf32>
    %swap3A = arith.constant 0 : index
    %swap3A_13 = arith.constant 0 : index
    %swap3A_14 = vector.load %arg4[%swap3A, %swap3A_13] : memref<64x512xf32, #tpu.memory_space<vmem>>, vector<64x512xf32>
    tpu.vector_store %arg4[%swap3A, %swap3A_13], %reduce_max3A_12 {strides = array<i32>} : memref<64x512xf32, #tpu.memory_space<vmem>>, vector<64x512xf32>,
    return
  }
  func.func @transform_0(%arg0: i32) -> (i32, i32) {
    %c0_i32 = arith.constant 0 : i32
    %c0_i32_0 = arith.constant 0 : i32
    return %arg0, %c0_i32 : i32, i32
  }
  func.func @transform_1(%arg0: i32) -> (i32, i32) {
    %c0_i32 = arith.constant 0 : i32
    %c0_i32_0 = arith.constant 0 : i32
    %c0_i32_1 = arith.constant 0 : i32
    return %c0_i32, %c0_i32_0 : i32, i32
  }
  func.func @transform_2(%arg0: i32) -> (i32, i32) {
    %c0_i32 = arith.constant 0 : i32
    %c0_i32_0 = arith.constant 0 : i32
    %c0_i32_1 = arith.constant 0 : i32
    return %c0_i32, %c0_i32_0 : i32, i32
  }
  func.func @transform_3(%arg0: i32) -> (i32, i32) {
    %c0_i32 = arith.constant 0 : i32
    %c0_i32_0 = arith.constant 0 : i32
    return %arg0, %c0_i32 : i32, i32
  }
}

</mosaic_0001>

<sc_bundles>
// kernel: kernel.11.cloned.1.call-start
scs
__scs_entry_jumppad:
0x0: {  	(pc) =	sbr.rel $0x88, $3  }
0x1: {  	(tag) =	ssettag $0x0;
	lr =	simm.s32 $0x1  }
0x2: {  	[smem:$0x3F93] =	sst lr;
	_ =	strace $0xD0000000  }
0x3: {  	_ = 	snop  }
0x4: {  	_ = 	snop  }
0x5: {  	_ = 	snop  }
0x6: {  	_ = 	snop  }
0x7: {  	_ = 	snop  }
__scs_overlays_trampoline_lowered:
0x8: {  	[smem:$0x3FA2] =	sst s0  }
0x9: {  	[smem:$0x3FA3] =	sst s1  }
0xa: {  	[smem:$0x3FA4] =	sst s2  }
0xb: {  	[smem:$0x3FA5] =	sst s3  }
0xc: {  	[smem:$0x3FA6] =	sst s4  }
0xd: {  	[smem:$0x3FA7] =	sst s5  }
0xe: {  	[smem:$0x3FA8] =	sst s6  }
0xf: {  	[smem:$0x3FA9] =	sst s7  }
0x10: {  	[smem:$0x3FAA] =	sst s8  }
0x11: {  	[smem:$0x3FAB] =	sst s9;
	s0 =	simm.s32 @!p0 $0x0  }
0x12: {  	s1 =	sld [smem:$0x3F91];
	s0 =	simm.s32 @p0 $0x1  }
0x13: {  	[smem:$0x3FAC] =	sst s0;
	s0 =	simm.s32 @!p1 $0x0  }
0x14: {  	s2 =	sld [smem:$0x3F90];
	s0 =	simm.s32 @p1 $0x1  }
0x15: {  	[smem:$0x3FAD] =	sst s0;
	s0 =	simm.s32 @!p2 $0x0  }
0x16: {  	s3 =	sld [smem:$0x3FDB];
	s0 =	simm.s32 @p2 $0x1  }
0x17: {  	s4 =	simm.s32 $0x1BF5;
	[smem:$0x3FAF] =	sst s0  }
0x18: {  	s0 =	sld [smem:$0x3F92];
	_ =	swait.ge [sflag:s4], $0x0  }
0x19: {  	s7 =	sld [smem:$0x3F93]  }
0x1a: {  	s8 =	sadd.s32 $0xFFFFE003, lr  }
0x1b: {  	s9 =	sadd.s32 $0xFFFFFEF7, lr;
	s5 =	simm.s32 $0xFFFFFFFF;
	p2 =	slt.u32 s8, $0xFFFFF086  }
0x1c: {  	p1 =	slt.u32 s9, $0xF7A;
	s5 =	simm.s32 @!p2 $0x0  }
0x1d: {  	s5 =	simm.s32 @p1 $0x1;
	p0 =	seq.s32 s7, s2  }
0x1e: {  	s7 =	smul.u32 @!p0 $0xF7A, s2;
	p2 =	seq.s32 @!p0 s5, $0x0  }
0x1f: {  	s9 =	smul.u32 $0xF7A, s1;
	s8 =	simm.s32 @!p0 $0x1BF5;
	p2 =	por !p2, p0  }
0x20: {  	[sflag:s8] =	ssyncset.s32 @!p0 $0xFFFFF086;
	s6 =	sadd.s32 @!p0 s3, s7;
	s7 =	simm.s32 @!p0 $0x108  }
0x21: {  	s3 =	sadd.s32 s3, s9;
	s6 =	sadd.s32 @!p0 $0x88, s6;
	s7 =	simm.s32 @p2 $0x1082  }
0x22: {  	[simem:s7], [sflag:s8] =	dma.local @!p0 [hbm:s6], $0xF7A  }
0x23: {  	s9 =	sor.u32 $0xD0000000, s2;
	s6 =	simm.s32 $0x108;
	_ =	swait.ge @!p0 [sflag:s8], $0x0  }
0x24: {  	s3 =	sadd.s32 $0x88, s3;
	s6 =	simm.s32 @!p1 $0x1082;
	[sflag:s4] =	ssyncset.s32 $0xFFFFF086  }
0x25: {  	[simem:s6], [sflag:s4] =	dma.local [hbm:s3], $0xF7A  }
0x26: {  	[smem:$0x3F93] =	sst s1;
	(tag) =	ssettag s2;
	_ =	strace s9  }
0x27: {  	s1 =	sld [smem:$0x3FA3]  }
0x28: {  	s2 =	sld [smem:$0x3FA4]  }
0x29: {  	s4 =	sld [smem:$0x3FA6]  }
0x2a: {  	p0 =	seq.s32 s5, $0x0;
	s5 =	sld [smem:$0x3FA7]  }
0x2b: {  	s6 =	sld [smem:$0x3FA8]  }
0x2c: {  	s7 =	sld [smem:$0x3FA9]  }
0x2d: {  	s3 =	simm.s32 $0x108;
	s8 =	sld [smem:$0x3FAA]  }
0x2e: {  	s3 =	simm.s32 @!p0 $0x1082;
	s9 =	sld [smem:$0x3FAB]  }
0x2f: {  	lr =	sadd.s32 s0, s3;
	s0 =	sld [smem:$0x3FA2]  }
0x30: {  	s3 =	sld [smem:$0x3FA5]  }
0x31: {  	[smem:$0x3FAE] =	sst s10  }
0x32: {  	s10 =	sld [smem:$0x3FAC];
	_ =	sdelay $0x3  }
0x33: {  	p0 =	seq.s32 s10, $0x1;
	s10 =	sld [smem:$0x3FAE];
	_ =	sdelay $0x3  }
0x34: {  	[smem:$0x3FAE] =	sst s10  }
0x35: {  	s10 =	sld [smem:$0x3FAD];
	_ =	sdelay $0x3  }
0x36: {  	p1 =	seq.s32 s10, $0x1;
	s10 =	sld [smem:$0x3FAE];
	_ =	sdelay $0x3  }
0x37: {  	[smem:$0x3FAE] =	sst s10  }
0x38: {  	s10 =	sld [smem:$0x3FAF]  }
0x39: {  	_ = 	snop;
	(pc) =	sbr.ind lr, $3  }
0x3a: {  	_ = 	snop  }
0x3b: {  	_ = 	snop  }
0x3c: {  	p2 =	seq.s32 s10, $0x1;
	s10 =	sld [smem:$0x3FAE]  }
0x3d: {  	_ =	shalt  }
0x3e: {  	_ =	shalt  }
0x3f: {  	_ =	shalt  }
0x40: {  	_ =	shalt  }
0x41: {  	_ =	shalt  }
0x42: {  	_ =	shalt  }
0x43: {  	_ =	shalt  }
0x44: {  	_ =	shalt  }
0x45: {  	_ =	shalt  }
0x46: {  	_ =	shalt  }
0x47: {  	_ =	shalt  }
0x48: {  	_ =	shalt  }
0x49: {  	_ =	shalt  }
0x4a: {  	_ =	shalt  }
0x4b: {  	_ =	shalt  }
0x4c: {  	_ =	shalt  }
0x4d: {  	_ =	shalt  }
0x4e: {  	_ =	shalt  }
0x4f: {  	_ =	shalt  }
0x50: {  	_ =	shalt  }
0x51: {  	_ =	shalt  }
0x52: {  	_ =	shalt  }
0x53: {  	_ =	shalt  }
0x54: {  	_ =	shalt  }
0x55: {  	_ =	shalt  }
0x56: {  	_ =	shalt  }
0x57: {  	_ =	shalt  }
0x58: {  	_ =	shalt  }
0x59: {  	_ =	shalt  }
0x5a: {  	_ =	shalt  }
0x5b: {  	_ =	shalt  }
0x5c: {  	_ =	shalt  }
0x5d: {  	_ =	shalt  }
0x5e: {  	_ =	shalt  }
0x5f: {  	_ =	shalt  }
0x60: {  	_ =	shalt  }
0x61: {  	_ =	shalt  }
0x62: {  	_ =	shalt  }
0x63: {  	_ =	shalt  }
0x64: {  	_ =	shalt  }
0x65: {  	_ =	shalt  }
0x66: {  	_ =	shalt  }
0x67: {  	_ =	shalt  }
0x68: {  	_ =	shalt  }
0x69: {  	_ =	shalt  }
0x6a: {  	_ =	shalt  }
0x6b: {  	_ =	shalt  }
0x6c: {  	_ =	shalt  }
0x6d: {  	_ =	shalt  }
0x6e: {  	_ =	shalt  }
0x6f: {  	_ =	shalt  }
0x70: {  	_ =	shalt  }
0x71: {  	_ =	shalt  }
0x72: {  	_ =	shalt  }
0x73: {  	_ =	shalt  }
0x74: {  	_ =	shalt  }
0x75: {  	_ =	shalt  }
0x76: {  	_ =	shalt  }
0x77: {  	_ =	shalt  }
0x78: {  	_ =	shalt  }
0x79: {  	_ =	shalt  }
0x7a: {  	_ =	shalt  }
0x7b: {  	_ =	shalt  }
0x7c: {  	_ =	shalt  }
0x7d: {  	_ =	shalt  }
0x7e: {  	_ =	shalt  }
0x7f: {  	_ =	shalt  }
0x80: {  	_ =	shalt  }
0x81: {  	_ =	shalt  }
0x82: {  	_ =	shalt  }
0x83: {  	_ =	shalt  }
0x84: {  	_ =	shalt  }
0x85: {  	_ =	shalt  }
0x86: {  	_ =	shalt  }
0x87: {  	_ =	shalt  }
.Lfunc_end0:
.L_simem_size_0:
called_computation_lowered:
.L_overlay_start_0:
0x88: {  	s2 =	sld [smem:$0x3FD9]  }
0x89: {  	s3 =	sld [smem:$0x3FFE];
	_ =	sdelay $0x1  }
0x8a: {  	s1 =	srdreg.scid  }
0x8b: {  	s0 =	sand.u32 $0x1, s1  }
0x8c: {  	s16 =	sshll.u32 s0, $0xA;
	s2 =	sadd.s32 s3, s2  }
0x8d: {  	s2 =	sadd.s32 s2, s16  }
0x8e: {  	[smem:$0x3FBA] =	sst s2  }
0x8f: {  	_ = 	snop  }
0x90: {  	(tm) =	ssettm $0x1  }
0x91: {  	s17 =	sld [smem:$0x3FFB];
	_ =	sdelay $0x3  }
0x92: {  	_ =	strace s17  }
0x93: {  	s2 =	sld [smem:$0x3FFC];
	_ =	sdelay $0x3  }
0x94: {  	_ =	strace s2  }
0x95: {  	s2 =	sld [smem:$0x3FFD];
	_ =	sdelay $0x3  }
0x96: {  	_ =	strace s2  }
0x97: {  	_ =	strace $0x8FFFFFFF  }
0x98: {  	s18 =	sld [smem:$0x3FDB];
	_ =	sdelay $0x1  }
0x99: {  	s19 =	simm.s32 $_scs_section_size  }
0x9a: {  	s4 =	simm.s32 $_size__tile_overlayer_lowered;
	s5 =	simm.s32 $_tile_overlayer_lowered  }
0x9b: {  	s22 =	simm.s32 $0x1BFF;
	s21 =	sshll.u32 s5, $0x1;
	s2 =	sadd.s32 s19, s18  }
0x9c: {  	s6 =	simm.s32 $0x0;
	s20 =	sshll.u32 s4, $0x1;
	s4 =	sadd.s32 s21, s2  }
0x9d: {  	[timem:s6], [sflag:s22] =	dma.local [hbm:s4], s20  }
0x9e: {  	_ =	swait.ge [sflag:s22], s20  }
0x9f: {  	s3 =	ssub.s32 $0x0, s20;
	[sflag:s22] =	ssyncset.done $0x0  }
0xa0: {  	[sflag:s22] =	ssyncadd.s32 s3;
	_ =	sdelay $0x1  }
0xa1: {  	s23 =	simm.s32 $0x1B8B  }
0xa2: {  	_ =	swait.ge [sflag:s23], $0x1  }
0xa3: {  	[sflag:s23] =	ssyncset.done $0x0  }
0xa4: {  	s25 =	simm.s32 $0x1B8E;
	s24 =	sld [smem:$0x3FFE];
	[sflag:s23] =	ssyncadd.s32 $0xFFFFFFFF  }
0xa5: {  	s26 =	simm.s32 $execute0_lowered;
	[smem:$0x3FD2] =	sst s25  }
0xa6: {  	s4 =	sshll.u32 s26, $0x1;
	_ =	strace $0x80000046;
	[dreg:$0x1] =	wrdreg $0xFFFFFFFF  }
0xa7: {  	s28 =	simm.s32 $_size_execute0_lowered;
	s2 =	sadd.s32 s2, s4;
	[dreg:$0x0] =	wrdreg $0x0  }
0xa8: {  	s4 =	sshll.u32 s28, $0x1;
	[dreg:$0x2] =	wrdreg s2  }
0xa9: {  	[dreg:$0x3] =	wrdreg s4  }
0xaa: {  	[dreg:$0x4] =	wrdreg $0xC0  }
0xab: {  	_ =	task [dreg:s6], $0x5FFFF  }
0xac: {  	[dreg:$0x1] =	wrdreg $0xFFFFFFFF  }
0xad: {  	[dreg:$0x0] =	wrdreg $0x60  }
0xae: {  	[dreg:$0x2] =	wrdreg s24  }
0xaf: {  	[dreg:$0x3] =	wrdreg $0x9  }
0xb0: {  	_ =	task.clear_ibuf [dreg:s6], $0x4FFFF;
	_ =	strace $0x90000046  }
0xb1: {  	s29 =	simm.s32 $0x9;
	_ =	strace $0x80000048  }
0xb2: {  	_ =	swait.ge [sflag:s29], $0x1  }
0xb3: {  	[sflag:s29] =	ssyncadd.s32 $0xFFFFFFFF  }
0xb4: {  	_ =	strace $0x90000048  }
0xb5: {  	_ =	sfence  }
0xb6: {  	s30 =	sld [smem:$0x0];
	_ =	sdelay $0x2  }
0xb7: {  	s31 =	sshll.u32 s1, $0xD;
	s1 =	sshrl.u32 s1, $0x2  }
0xb8: {  	s3 =	sand.u32 $0x4000, s31;
	s1 =	sadd.s32 s1, s30  }
0xb9: {  	s0 =	sor.u32 s3, s0;
	s1 =	sshll.u32 s1, $0x11  }
0xba: {  	s0 =	sor.u32 s1, s0  }
0xbb: {  	s0 =	sadd.s32 $0x8F2B, s0  }
0xbc: {  	[sflag:s0] =	ssyncadd.remote.s32 $0x1  }
0xbd: {  	_ =	sfence.sel $0xFFFF  }
0xbe: {  	[dreg:$0x0] =	wrdreg $0xFFFFFFFF;
	(pc) =	sbr.abs _section_cstart, $3  }
0xbf: {  	[dreg:$0x1] =	wrdreg $0xFFFFFFFF  }
0xc0: {  	_ =	task.clear_ibuf [dreg:s6], $0x2FFFF;
	_ =	strace $0x9FFFFFFF  }
0xc1: {  	(tm) =	ssettm $0x7FFFFFFF  }
tec
execute0_lowered:
.L_overlay_start_1:
0x0: {  	(tag) =	ssettag $0x1  }
0x1: {  	s5 =	rddreg [dreg:$0x0]  }
0x2: {  	s0 =	rddreg [dreg:$0x1];
	s1 =	simm.s32 $0x0  }
0x3: {  	s2 =	srdreg.scid;
	s10 =	simm.s32 $0x2;
	s11 =	simm.s32 $0x1000  }
0x4: {  	s12 =	simm.s32 $0x20;
	s13 =	simm.s32 $0x1080;
	s14 =	simm.s32 $0x1  }
0x5: {  	s15 =	simm.s32 $0x0;
	[smem:$0x7FF] =	sst s1;
	s7 =	sand.u32 $0x1, s2  }
0x6: {  	s3 =	sadd.s32 $0x104400, s5;
	s4 =	sadd.s32 $0x504400, s5;
	s2 =	stileid.u32  }
0x7: {  	s5 =	sadd.s32 $0x604400, s5;
	_ =	strace $0x80000047;
	s6 =	ssub.s32 $0x2, s7  }
0x8: {  	v1 =	vimm.s32 $0xFFF;
	v2 =	vimm.s32 $0x800;
	s9 =	sshll.u32 s2, $0x12;
	s7 =	sshll.u32 s7, $0x11;
	s8 =	sshrl.u32 s6, $0x1  }
0x9: {  	v3 =	vlaneseq.u32;
	v4 =	vimm.s32 $0x1000;
	v5 =	vimm.s32 $0x801;
	s31 =	sshll.u32 s2, $0xC;
	s7 =	sor.u32 s7, s9;
	s6 =	ssub.s32 s6, s8  }
0xa: {  	v6 =	vimm.s32 $0xC00;
	v7 =	vor.u32 $0x10, v3;
	v0 =	vmov s31;
	s9 =	simm.s32 $0x400;
	s8 =	simm.s32 $0x80;
	s6 =	smax.u32 s6, $0x1  }
.LBB2_1:
0xb: {  	s16 =	smov.u32 s7;
	s17 =	simm.s32 $0x0  }
.LBB2_2:
0xc: {  	s18 =	sand.u32 $0x70, s17  }
0xd: {  	s19 =	sand.u32 $0x3FF000, s16;
	s18 =	sadd.s32 s3, s18  }
0xe: {  	s18 =	sadd.s32 s19, s18  }
0xf: {  	[tilespmem:s1], [sflag:$0x2] =	stream.strided.gather [hbm4b:s18+s8], $0x1000, s9, s8, $0x38;
	[tilespmem:$0x2080] =	vst v63  }
0x10: {  	_ =	swait.ge [sflag:s10], $0x1000  }
0x11: {  	[sflag:s10] =	ssyncset.done $0x0  }
0x12: {  	[sflag:s10] =	ssyncadd.s32 $0xFFFFF000  }
0x13: {  	v8 =	vld.idx.msk [tilespmem:v2+s1+$0x0], $0xffff;
	_ =	sdelay $0x4  }
0x14: {  	vm0 =	vgt.s32 v8, v3  }
0x15: {  	v8 =	vsel vm0, $0x400, v6;
	_ =	sdelay $0x4  }
0x16: {  	v9 =	vld.idx.msk [tilespmem:v8+s1+$0x0], $0xffff;
	_ =	sdelay $0x4  }
0x17: {  	v10 =	vsel vm0, $0x800, v4;
	vm1 =	vgt.s32 v9, v3  }
0x18: {  	v18 =	vsel vm0, $0x0, v5;
	v10 =	vsel vm1, v8, v10;
	v8 =	vor.u32 $0x1, v8  }
0x19: {  	v8 =	vsel vm1, v18, v8;
	v19 =	vadd.s32 $0xFFFFFFFF, v10  }
0x1a: {  	v11 =	vxor.u32 v19, v8  }
0x1b: {  	v9 =	vor.u32 v19, v8;
	v11 =	vshrl.u32 v11, $0x1  }
0x1c: {  	v9 =	vsub.s32 v9, v11;
	_ =	sdelay $0x4  }
0x1d: {  	v11 =	vld.idx.msk [tilespmem:v9+s1+$0x0], $0xffff;
	_ =	sdelay $0x4  }
0x1e: {  	v20 =	vor.u32 $0x1, v9;
	vm14 =	vgt.s32 v11, v3  }
0x1f: {  	v9 =	vsel vm14, v9, v10;
	v8 =	vsel vm14, v8, v20  }
0x20: {  	v10 =	vxor.u32 v9, v8  }
0x21: {  	v11 =	vand.u32 v9, v8;
	v10 =	vshrl.u32 v10, $0x1  }
0x22: {  	v10 =	vadd.s32 v10, v11;
	_ =	sdelay $0x4  }
0x23: {  	v11 =	vld.idx.msk [tilespmem:v10+s1+$0x0], $0xffff;
	_ =	sdelay $0x4  }
0x24: {  	v21 =	vadd.s32 $0x1, v10;
	vm15 =	vgt.s32 v11, v3  }
0x25: {  	v9 =	vsel vm15, v10, v9;
	v8 =	vsel vm15, v8, v21  }
0x26: {  	v10 =	vadd.s32 v9, v8  }
0x27: {  	v10 =	vshrl.u32 v10, $0x1;
	_ =	sdelay $0x4  }
0x28: {  	v22 =	vld.idx.msk [tilespmem:v10+s1+$0x0], $0xffff;
	_ =	sdelay $0x4  }
0x29: {  	v23 =	vadd.s32 $0x1, v10;
	vm4 =	vgt.s32 v22, v3  }
0x2a: {  	v9 =	vsel vm4, v10, v9;
	v8 =	vsel vm4, v8, v23  }
0x2b: {  	v10 =	vadd.s32 v9, v8  }
0x2c: {  	v10 =	vshrl.u32 v10, $0x1;
	_ =	sdelay $0x4  }
0x2d: {  	v24 =	vld.idx.msk [tilespmem:v10+s1+$0x0], $0xffff;
	_ =	sdelay $0x4  }
0x2e: {  	v25 =	vadd.s32 $0x1, v10;
	vm5 =	vgt.s32 v24, v3  }
0x2f: {  	v9 =	vsel vm5, v10, v9;
	v8 =	vsel vm5, v8, v25  }
0x30: {  	v10 =	vadd.s32 v9, v8  }
0x31: {  	v10 =	vshrl.u32 v10, $0x1;
	_ =	sdelay $0x4  }
0x32: {  	v26 =	vld.idx.msk [tilespmem:v10+s1+$0x0], $0xffff;
	_ =	sdelay $0x4  }
0x33: {  	v27 =	vadd.s32 $0x1, v10;
	vm6 =	vgt.s32 v26, v3  }
0x34: {  	v9 =	vsel vm6, v10, v9;
	v8 =	vsel vm6, v8, v27  }
0x35: {  	v10 =	vadd.s32 v9, v8  }
0x36: {  	v10 =	vshrl.u32 v10, $0x1;
	_ =	sdelay $0x4  }
0x37: {  	v28 =	vld.idx.msk [tilespmem:v10+s1+$0x0], $0xffff;
	_ =	sdelay $0x4  }
0x38: {  	v29 =	vadd.s32 $0x1, v10;
	vm7 =	vgt.s32 v28, v3  }
0x39: {  	v9 =	vsel vm7, v10, v9;
	v8 =	vsel vm7, v8, v29  }
0x3a: {  	v10 =	vadd.s32 v9, v8  }
0x3b: {  	v10 =	vshrl.u32 v10, $0x1;
	_ =	sdelay $0x4  }
0x3c: {  	v30 =	vld.idx.msk [tilespmem:v10+s1+$0x0], $0xffff;
	_ =	sdelay $0x4  }
0x3d: {  	v31 =	vadd.s32 $0x1, v10;
	vm8 =	vgt.s32 v30, v3  }
0x3e: {  	v9 =	vsel vm8, v10, v9;
	v8 =	vsel vm8, v8, v31  }
0x3f: {  	v10 =	vadd.s32 v9, v8  }
0x40: {  	v10 =	vshrl.u32 v10, $0x1;
	_ =	sdelay $0x4  }
0x41: {  	v32 =	vld.idx.msk [tilespmem:v10+s1+$0x0], $0xffff;
	_ =	sdelay $0x4  }
0x42: {  	v33 =	vadd.s32 $0x1, v10;
	vm9 =	vgt.s32 v32, v3  }
0x43: {  	v9 =	vsel vm9, v10, v9;
	v8 =	vsel vm9, v8, v33  }
0x44: {  	v10 =	vadd.s32 v9, v8  }
0x45: {  	v10 =	vshrl.u32 v10, $0x1;
	_ =	sdelay $0x4  }
0x46: {  	v34 =	vld.idx.msk [tilespmem:v10+s1+$0x0], $0xffff;
	_ =	sdelay $0x4  }
0x47: {  	v35 =	vadd.s32 $0x1, v10;
	vm10 =	vgt.s32 v34, v3  }
0x48: {  	v9 =	vsel vm10, v10, v9;
	v8 =	vsel vm10, v8, v35  }
0x49: {  	v10 =	vadd.s32 v9, v8  }
0x4a: {  	v10 =	vshrl.u32 v10, $0x1;
	_ =	sdelay $0x4  }
0x4b: {  	v36 =	vld.idx.msk [tilespmem:v10+s1+$0x0], $0xffff;
	_ =	sdelay $0x4  }
0x4c: {  	v37 =	vadd.s32 $0x1, v10;
	vm11 =	vgt.s32 v36, v3  }
0x4d: {  	v9 =	vsel vm11, v10, v9;
	v8 =	vsel vm11, v8, v37  }
0x4e: {  	v9 =	vadd.s32 v9, v8  }
0x4f: {  	v9 =	vshrl.u32 v9, $0x1  }
0x50: {  	v38 =	vmin.u32 v9, $0xFFF;
	_ =	sdelay $0x4  }
0x51: {  	v10 =	vld.idx.msk [tilespmem:v38+s1+$0x0], $0xffff;
	_ =	sdelay $0x4  }
0x52: {  	v9 =	vadd.s32 $0x1, v9;
	vm12 =	vgt.s32 v10, v3  }
0x53: {  	v8 =	vsel vm12, v8, v9  }
0x54: {  	v8 =	vmin.u32 v8, $0xFFF  }
0x55: {  	v8 =	vor.u32 v0, v8  }
0x56: {  	v39 =	vld.idx.msk [tilespmem:v1+s1+$0x0], $0xffff;
	[tilespmem:$0x1000] =	vst v8  }
0x57: {  	v40 =	vld.idx.msk [tilespmem:v2+s1+$0x0], $0xffff;
	_ =	sdelay $0x4  }
0x58: {  	vm13 =	vgt.s32 v40, v7  }
0x59: {  	v10 =	vsel vm13, $0x400, v6;
	_ =	sdelay $0x4  }
0x5a: {  	v41 =	vld.idx.msk [tilespmem:v10+s1+$0x0], $0xffff;
	_ =	sdelay $0x4  }
0x5b: {  	v12 =	vsel vm13, $0x800, v4;
	vm14 =	vgt.s32 v41, v7  }
0x5c: {  	v42 =	vsel vm13, $0x0, v5;
	v12 =	vsel vm14, v10, v12;
	v10 =	vor.u32 $0x1, v10  }
0x5d: {  	v10 =	vsel vm14, v42, v10;
	v43 =	vadd.s32 $0xFFFFFFFF, v12  }
0x5e: {  	v13 =	vxor.u32 v43, v10  }
0x5f: {  	v11 =	vor.u32 v43, v10;
	v13 =	vshrl.u32 v13, $0x1  }
0x60: {  	v11 =	vsub.s32 v11, v13;
	_ =	sdelay $0x4  }
0x61: {  	v13 =	vld.idx.msk [tilespmem:v11+s1+$0x0], $0xffff;
	_ =	sdelay $0x4  }
0x62: {  	v44 =	vor.u32 $0x1, v11;
	vm15 =	vgt.s32 v13, v7  }
0x63: {  	v11 =	vsel vm15, v11, v12;
	v10 =	vsel vm15, v10, v44  }
0x64: {  	v12 =	vxor.u32 v11, v10  }
0x65: {  	v13 =	vand.u32 v11, v10;
	v12 =	vshrl.u32 v12, $0x1  }
0x66: {  	v12 =	vadd.s32 v12, v13;
	_ =	sdelay $0x4  }
0x67: {  	v13 =	vld.idx.msk [tilespmem:v12+s1+$0x0], $0xffff;
	_ =	sdelay $0x4  }
0x68: {  	v45 =	vadd.s32 $0x1, v12;
	vm4 =	vgt.s32 v13, v7  }
0x69: {  	v11 =	vsel vm4, v12, v11;
	v10 =	vsel vm4, v10, v45  }
0x6a: {  	v12 =	vadd.s32 v11, v10  }
0x6b: {  	v12 =	vshrl.u32 v12, $0x1;
	_ =	sdelay $0x4  }
0x6c: {  	v46 =	vld.idx.msk [tilespmem:v12+s1+$0x0], $0xffff;
	_ =	sdelay $0x4  }
0x6d: {  	v47 =	vadd.s32 $0x1, v12;
	vm5 =	vgt.s32 v46, v7  }
0x6e: {  	v11 =	vsel vm5, v12, v11;
	v10 =	vsel vm5, v10, v47  }
0x6f: {  	v12 =	vadd.s32 v11, v10  }
0x70: {  	v12 =	vshrl.u32 v12, $0x1;
	_ =	sdelay $0x4  }
0x71: {  	v48 =	vld.idx.msk [tilespmem:v12+s1+$0x0], $0xffff;
	_ =	sdelay $0x4  }
0x72: {  	v49 =	vadd.s32 $0x1, v12;
	vm6 =	vgt.s32 v48, v7  }
0x73: {  	v11 =	vsel vm6, v12, v11;
	v10 =	vsel vm6, v10, v49  }
0x74: {  	v12 =	vadd.s32 v11, v10  }
0x75: {  	v12 =	vshrl.u32 v12, $0x1;
	_ =	sdelay $0x4  }
0x76: {  	v50 =	vld.idx.msk [tilespmem:v12+s1+$0x0], $0xffff;
	_ =	sdelay $0x4  }
0x77: {  	v51 =	vadd.s32 $0x1, v12;
	vm7 =	vgt.s32 v50, v7  }
0x78: {  	v11 =	vsel vm7, v12, v11;
	v10 =	vsel vm7, v10, v51  }
0x79: {  	v12 =	vadd.s32 v11, v10  }
0x7a: {  	v12 =	vshrl.u32 v12, $0x1;
	_ =	sdelay $0x4  }
0x7b: {  	v52 =	vld.idx.msk [tilespmem:v12+s1+$0x0], $0xffff;
	_ =	sdelay $0x4  }
0x7c: {  	v53 =	vadd.s32 $0x1, v12;
	vm8 =	vgt.s32 v52, v7  }
0x7d: {  	v11 =	vsel vm8, v12, v11;
	v10 =	vsel vm8, v10, v53  }
0x7e: {  	v12 =	vadd.s32 v11, v10  }
0x7f: {  	v12 =	vshrl.u32 v12, $0x1;
	_ =	sdelay $0x4  }
0x80: {  	v54 =	vld.idx.msk [tilespmem:v12+s1+$0x0], $0xffff;
	_ =	sdelay $0x4  }
0x81: {  	v55 =	vadd.s32 $0x1, v12;
	vm9 =	vgt.s32 v54, v7  }
0x82: {  	v11 =	vsel vm9, v12, v11;
	v10 =	vsel vm9, v10, v55  }
0x83: {  	v12 =	vadd.s32 v11, v10  }
0x84: {  	v12 =	vshrl.u32 v12, $0x1;
	_ =	sdelay $0x4  }
0x85: {  	v56 =	vld.idx.msk [tilespmem:v12+s1+$0x0], $0xffff;
	_ =	sdelay $0x4  }
0x86: {  	v57 =	vadd.s32 $0x1, v12;
	vm10 =	vgt.s32 v56, v7  }
0x87: {  	v11 =	vsel vm10, v12, v11;
	v10 =	vsel vm10, v10, v57  }
0x88: {  	v12 =	vadd.s32 v11, v10  }
0x89: {  	v12 =	vshrl.u32 v12, $0x1;
	_ =	sdelay $0x4  }
0x8a: {  	v58 =	vld.idx.msk [tilespmem:v12+s1+$0x0], $0xffff;
	_ =	sdelay $0x4  }
0x8b: {  	v59 =	vadd.s32 $0x1, v12;
	vm11 =	vgt.s32 v58, v7  }
0x8c: {  	v11 =	vsel vm11, v12, v11;
	v10 =	vsel vm11, v10, v59  }
0x8d: {  	v12 =	vadd.s32 v11, v10  }
0x8e: {  	v12 =	vshrl.u32 v12, $0x1;
	_ =	sdelay $0x4  }
0x8f: {  	v60 =	vld.idx.msk [tilespmem:v12+s1+$0x0], $0xffff;
	_ =	sdelay $0x4  }
0x90: {  	v61 =	vadd.s32 $0x1, v12;
	vm12 =	vgt.s32 v60, v7  }
0x91: {  	v11 =	vsel vm12, v12, v11;
	v10 =	vsel vm12, v10, v61  }
0x92: {  	v11 =	vadd.s32 v11, v10  }
0x93: {  	v11 =	vshrl.u32 v11, $0x1  }
0x94: {  	v62 =	vmin.u32 v11, $0xFFF;
	_ =	sdelay $0x4  }
0x95: {  	v12 =	vld.idx.msk [tilespmem:v62+s1+$0x0], $0xffff;
	_ =	sdelay $0x4  }
0x96: {  	v11 =	vadd.s32 $0x1, v11;
	vm13 =	vgt.s32 v12, v7  }
0x97: {  	v10 =	vsel vm13, v10, v11  }
0x98: {  	v10 =	vmin.u32 v10, $0xFFF  }
0x99: {  	v10 =	vor.u32 v0, v10  }
0x9a: {  	[tilespmem:$0x1010] =	vst v10  }
0x9b: {  	v63 =	vld.msk [tilespmem:s11+$0x0], $0xffff;
	_ =	sdelay $0x3  }
0x9c: {  	vm14 =	vgt.s32 v39, v3  }
0x9d: {  	vm15 =	vgt.s32 v39, v7;
	v8 =	vsel vm14, v8, v63  }
0x9e: {  	[tilespmem:$0x1000] =	vst v8;
	v8 =	vsel vm15, v10, v63  }
0x9f: {  	[tilespmem:$0x1010] =	vst v8  }
0xa0: {  	[tilespmem:s13], [sflag:$0x1] =	stream.indirect.gather [hbm4b:s4+s12], $0x80, s11, s12, $0xb8;
	[tilespmem:$0x2080] =	vst v63  }
0xa1: {  	_ =	swait.ge [sflag:s14], $0x1000  }
0xa2: {  	p0 =	sne.s32 s17, $0xFF0;
	[sflag:s14] =	ssyncset.done $0x0  }
.Ltmp0:
0xa3: {  	s31 =	sadd.s32 s16, s5;
	[sflag:s14] =	ssyncadd.s32 $0xFFFFF000;
	(pc) =	sbr.rel @p0 .LBB2_2-.Ltmp0, $4  }
0xa4: {  	[hbm4b:s31+s1] =	stream.linear.scatter [tilespmem:s13], [sflag:$0x2], $0x1000, $0x38;
	[tilespmem:$0x2080] =	vst v63  }
0xa5: {  	_ =	swait.ge [sflag:s10], $0x1000  }
0xa6: {  	[sflag:s10] =	ssyncset.done $0x0  }
0xa7: {  	s16 =	sadd.s32 $0x200, s16;
	s17 =	sadd.s32 $0x10, s17;
	[sflag:s10] =	ssyncadd.s32 $0xFFFFF000  }
0xa8: {  	s15 =	sadd.s32 $0x1, s15  }
0xa9: {  	p0 =	sne.s32 s15, s6  }
.Ltmp1:
0xaa: {  	_ = 	snop;
	(pc) =	sbr.rel @p0 .LBB2_1-.Ltmp1, $1  }
0xab: {  	_ =	sdelay $0x3  }
0xac: {  	_ =	sfence.sel $0x180000  }
0xad: {  	[bflag:$0x0] =	sbarrier.arrive $0xFFFF  }
0xae: {  	p0 =	sne.s32 s2, $0x0;
	_ =	strace $0x90000047  }
0xaf: {  	s0 =	sadd.s32 @!p0 $0x100000, s0;
	[bflag:$0x2] =	sbarrier.arrive $0xFFFF  }
0xb0: {  	[sflag:s0] =	ssyncadd.tile.s32 @!p0 $0x1;
	_ =	shalt  }
.Lfunc_end2:
_tile_overlayer_lowered:
.L_overlay_start_2:
0xb1: {  	(tag) =	ssettag $0x2  }
0xb2: {  	s0 =	rddreg [dreg:$0x0];
	s2 =	stileid.u32  }
0xb3: {  	s1 =	rddreg [dreg:$0x1];
	p0 =	sne.s32 s2, $0x0  }
0xb4: {  	s3 =	rddreg [dreg:$0x2];
	[bflag:$0x3] =	sbarrier.arrive $0xFFFF;
	s2 =	simm.s32 @!p0 $0x1C02  }
0xb5: {  	[timem:s3], [sflag:s2] =	dma.local @!p0 [hbm:s0], s1  }
0xb6: {  	s0 =	simm.s32 @!p0 $0x2  }
0xb7: {  	_ =	swait.ge @!p0 [sflag:s0], s1  }
0xb8: {  	s1 =	ssub.s32 @!p0 $0x0, s1;
	[sflag:s0] =	ssyncset.done @!p0 $0x0  }
0xb9: {  	[sflag:s0] =	ssyncadd.s32 @!p0 s1  }
0xba: {  	[bflag:$0x3] =	sbarrier.arrive $0xFFFF  }
0xbb: {  	_ =	shalt  }

</sc_bundles>
